<compile_context>
chip_gen: v7x
topology: tpu7x:2x2x1
jax: 0.10.2.dev20260603
libtpu: 0.0.44.dev20260713+nightly
codegen_flags: <defaults>
</compile_context>

<pallas_src>
import functools

import jax
import jax.numpy as jnp
from jax import lax
from jax.experimental import pallas as pl
from jax.experimental.pallas import tpu as pltpu
from jax.experimental.pallas import tpu_sc as plsc

_NC = 2
_NS = 16
_L = 16
_NW = _NC * _NS


@functools.lru_cache(maxsize=None)
def _build_sc_bounds(B: int, K: int):
    assert B % (_NW * _L) == 0, B
    chunk = B // _NW

    assert K & (K - 1) == 0, K
    s = 1
    while s * 2 < K:
        s *= 2
    steps = []
    while s >= 1:
        steps.append(s)
        s //= 2

    mesh = plsc.VectorSubcoreMesh(core_axis_name="c", subcore_axis_name="s")

    @functools.partial(
        pl.kernel,
        out_type=(
            jax.ShapeDtypeStruct((B,), jnp.float32),
            jax.ShapeDtypeStruct((B,), jnp.float32),
            jax.ShapeDtypeStruct((B,), jnp.float32),
            jax.ShapeDtypeStruct((B,), jnp.float32),
        ),
        mesh=mesh,
        compiler_params=pltpu.CompilerParams(needs_layout_passes=False),
        scratch_types=[
            pltpu.VMEM((chunk,), jnp.float32),
            pltpu.VMEM((chunk,), jnp.float32),
            pltpu.VMEM((chunk,), jnp.float32),
            pltpu.VMEM((chunk,), jnp.float32),
            pltpu.VMEM((K,), jnp.float32),
            pltpu.VMEM((K,), jnp.float32),
            pltpu.SemaphoreType.DMA,
        ],
    )
    def sc_bounds(base_hbm, rp_hbm, ep_hbm, leaf_hbm,
                  base_out, rp_out, lo_hbm, hi_hbm,
                  base_v, rp_v, lo_v, hi_v, leaf_v, ep_v, sem):
        wid = lax.axis_index("s") * _NC + lax.axis_index("c")
        b0 = wid * chunk
        cps = [
            pltpu.async_copy(leaf_hbm, leaf_v, sem),
            pltpu.async_copy(ep_hbm, ep_v, sem),
            pltpu.async_copy(base_hbm.at[pl.ds(b0, chunk)], base_v, sem),
            pltpu.async_copy(rp_hbm.at[pl.ds(b0, chunk)], rp_v, sem),
        ]
        for cp in cps:
            cp.wait()

        @plsc.parallel_loop(0, chunk, step=_L, unroll=8)
        def body(off):
            v = rp_v[pl.ds(off, _L)]
            j = jnp.zeros((_L,), jnp.int32)
            for s in steps:
                t = j + s
                lt = plsc.load_gather(leaf_v, [t])
                j = jnp.where(lt <= v, t, j)
            d0 = jnp.abs(v - plsc.load_gather(leaf_v, [j]))
            jp = jnp.minimum(j + 1, K - 1)
            d1 = jnp.abs(v - plsc.load_gather(leaf_v, [jp]))
            m = jnp.where(d1 < d0, jp, j)
            err = plsc.load_gather(ep_v, [m])
            b = base_v[pl.ds(off, _L)]
            lo_v[pl.ds(off, _L)] = b - err
            hi_v[pl.ds(off, _L)] = b + err

        pltpu.sync_copy(lo_v, lo_hbm.at[pl.ds(b0, chunk)])
        pltpu.sync_copy(hi_v, hi_hbm.at[pl.ds(b0, chunk)])
        pltpu.sync_copy(base_v, base_out.at[pl.ds(b0, chunk)])
        pltpu.sync_copy(rp_v, rp_out.at[pl.ds(b0, chunk)])

    return sc_bounds


def kernel(x_orig, base_prediction, region_prediction, error_pval, leaf_values):
    B = base_prediction.shape[0]
    K = leaf_values.shape[0]
    base = base_prediction.reshape(B)
    rp = region_prediction.reshape(B)
    ep = error_pval.reshape(K).astype(jnp.float32)
    base_out, rp_out, lo, hi = _build_sc_bounds(B, K)(base, rp, ep, leaf_values)
    z = leaf_values[0] - leaf_values[0]
    return (x_orig + z, base_out.reshape(B, 1), rp_out.reshape(B, 1),
            lo.reshape(B, 1), hi.reshape(B, 1))

# --- scband reference (transcript-rebuilt; emitter-appended) ---
"""Pipeline reference for scband-cpinference-multi-region-61787399520566 (READ-ONLY COPY).

The authoritative reference and input builder live on the scoring server;
editing this copy changes nothing except your own understanding.
"""

import jax, jax.numpy as jnp
import numpy as np

B = 131072
D = 32
K = 128

def _params():
    scores = jnp.tile(jnp.array([0.2, 0.3, 0.5], dtype=jnp.float32), (K, 1))
    quantile = 0.9
    n = scores.shape[1]
    q = float(min(np.ceil((n + 1) * quantile) / n, 1.0))
    qhat = jnp.quantile(scores, q, axis=1, method='higher')
    error_pval = qhat[:, None].astype(jnp.float32)
    leaf_values = jnp.arange(K, dtype=jnp.float32)
    return error_pval, leaf_values

def setup_inputs(seed: int = 0):
    key = jax.random.key(seed)
    k1, k2, k3 = jax.random.split(key, 3)
    x_orig = jax.random.normal(k1, (B, D), dtype=jnp.float32)
    base_prediction = jax.random.normal(k2, (B, 1), dtype=jnp.float32)
    region_prediction = jax.random.uniform(k3, (B, 1), dtype=jnp.float32)
    error_pval, leaf_values = _params()
    return {"x_orig": x_orig, "base_prediction": base_prediction, "region_prediction": region_prediction, "error_pval": error_pval, "leaf_values": leaf_values}

def reference(x_orig, base_prediction, region_prediction, error_pval, leaf_values):
    # membership: nearest leaf (codebook) lookup via broadcasted L1 distance + argmin
    membership = jnp.argmin(jnp.abs(region_prediction - leaf_values[None, :]), axis=1)
    err = error_pval[membership]  # gather per-region conformal quantile, shape [B, 1]
    return (x_orig, base_prediction, region_prediction, base_prediction - err, base_prediction + err)

if __name__ == "__main__":
    import jax
    _d = setup_inputs()
    print(jax.jit(kernel)(*tuple(_d.values())))

</pallas_src>

<mosaic_0001>
#map = affine_map<(d0, d1) -> (0)>
module attributes {stable_mosaic.version = 14 : i64} {
  func.func @sc_bounds(%arg0: i32, %arg1: i32, %arg2: memref<131072xf32, #tpu.memory_space<hbm>>, %arg3: memref<131072xf32, #tpu.memory_space<hbm>>, %arg4: memref<128xf32, #tpu.memory_space<hbm>>, %arg5: memref<128xf32, #tpu.memory_space<hbm>>, %arg6: memref<131072xf32, #tpu.memory_space<hbm>>, %arg7: memref<131072xf32, #tpu.memory_space<hbm>>, %arg8: memref<131072xf32, #tpu.memory_space<hbm>>, %arg9: memref<131072xf32, #tpu.memory_space<hbm>>, %arg10: memref<4096xf32, #tpu.memory_space<vmem>>, %arg11: memref<4096xf32, #tpu.memory_space<vmem>>, %arg12: memref<4096xf32, #tpu.memory_space<vmem>>, %arg13: memref<4096xf32, #tpu.memory_space<vmem>>, %arg14: memref<128xf32, #tpu.memory_space<vmem>>, %arg15: memref<128xf32, #tpu.memory_space<vmem>>, %arg16: memref<!tpu.dma_semaphore, #tpu.memory_space<semaphore_mem>>) attributes {dimension_semantics = [#tpu.dimension_semantics<core_parallel>, #tpu.dimension_semantics<subcore_parallel>], iteration_bounds = array<i64: 2, 16>, scalar_prefetch = 0 : i64, scratch_operands = 7 : i64, tpu.core_type = #tpu.core_type<sc_vector_subcore>, window_params = [{transform_indices = #map}, {transform_indices = #map}, {transform_indices = #map}, {transform_indices = #map}, {transform_indices = #map}, {transform_indices = #map}, {transform_indices = #map}, {transform_indices = #map}]} {
    %mul3A = arith.constant 2 : i32
    %mul3A_0 = arith.muli %arg1, %mul3A : i32
    %add3A = arith.addi %mul3A_0, %arg0 : i32
    %mul3A_1 = arith.constant 4096 : i32
    %mul3A_2 = arith.muli %add3A, %mul3A_1 : i32
    tpu.enqueue_dma source(%arg5 : memref<128xf32, #tpu.memory_space<hbm>>) target(%arg14 : memref<128xf32, #tpu.memory_space<vmem>>) target_semaphore(%arg16 : memref<!tpu.dma_semaphore, #tpu.memory_space<semaphore_mem>>)
    tpu.enqueue_dma source(%arg4 : memref<128xf32, #tpu.memory_space<hbm>>) target(%arg15 : memref<128xf32, #tpu.memory_space<vmem>>) target_semaphore(%arg16 : memref<!tpu.dma_semaphore, #tpu.memory_space<semaphore_mem>>)
    %dma_start3A = tpu.memref_slice %arg2[%mul3A_2] : memref<131072xf32, #tpu.memory_space<hbm>> -> memref<4096xf32, #tpu.memory_space<hbm>>
    %dma_start3A_3 = tpu.memref_slice %arg2[%mul3A_2] : memref<131072xf32, #tpu.memory_space<hbm>> -> memref<4096xf32, #tpu.memory_space<hbm>>
    tpu.enqueue_dma source(%dma_start3A_3 : memref<4096xf32, #tpu.memory_space<hbm>>) target(%arg10 : memref<4096xf32, #tpu.memory_space<vmem>>) target_semaphore(%arg16 : memref<!tpu.dma_semaphore, #tpu.memory_space<semaphore_mem>>)
    %dma_start3A_4 = tpu.memref_slice %arg3[%mul3A_2] : memref<131072xf32, #tpu.memory_space<hbm>> -> memref<4096xf32, #tpu.memory_space<hbm>>
    %dma_start3A_5 = tpu.memref_slice %arg3[%mul3A_2] : memref<131072xf32, #tpu.memory_space<hbm>> -> memref<4096xf32, #tpu.memory_space<hbm>>
    tpu.enqueue_dma source(%dma_start3A_5 : memref<4096xf32, #tpu.memory_space<hbm>>) target(%arg11 : memref<4096xf32, #tpu.memory_space<vmem>>) target_semaphore(%arg16 : memref<!tpu.dma_semaphore, #tpu.memory_space<semaphore_mem>>)
    tpu.wait_dma2 semaphore(%arg16 : memref<!tpu.dma_semaphore, #tpu.memory_space<semaphore_mem>>) src(%arg5 : memref<128xf32, #tpu.memory_space<hbm>>) dst(%arg14 : memref<128xf32, #tpu.memory_space<vmem>>)
    tpu.wait_dma2 semaphore(%arg16 : memref<!tpu.dma_semaphore, #tpu.memory_space<semaphore_mem>>) src(%arg4 : memref<128xf32, #tpu.memory_space<hbm>>) dst(%arg15 : memref<128xf32, #tpu.memory_space<vmem>>)
    %dma_wait3A = tpu.memref_slice %arg2[%mul3A_2] : memref<131072xf32, #tpu.memory_space<hbm>> -> memref<4096xf32, #tpu.memory_space<hbm>>
    %dma_wait3A_6 = tpu.memref_slice %arg2[%mul3A_2] : memref<131072xf32, #tpu.memory_space<hbm>> -> memref<4096xf32, #tpu.memory_space<hbm>>
    tpu.wait_dma2 semaphore(%arg16 : memref<!tpu.dma_semaphore, #tpu.memory_space<semaphore_mem>>) src(%dma_wait3A_6 : memref<4096xf32, #tpu.memory_space<hbm>>) dst(%arg10 : memref<4096xf32, #tpu.memory_space<vmem>>)
    %dma_wait3A_7 = tpu.memref_slice %arg3[%mul3A_2] : memref<131072xf32, #tpu.memory_space<hbm>> -> memref<4096xf32, #tpu.memory_space<hbm>>
    %dma_wait3A_8 = tpu.memref_slice %arg3[%mul3A_2] : memref<131072xf32, #tpu.memory_space<hbm>> -> memref<4096xf32, #tpu.memory_space<hbm>>
    tpu.wait_dma2 semaphore(%arg16 : memref<!tpu.dma_semaphore, #tpu.memory_space<semaphore_mem>>) src(%dma_wait3A_8 : memref<4096xf32, #tpu.memory_space<hbm>>) dst(%arg11 : memref<4096xf32, #tpu.memory_space<vmem>>)
    %parallel_loop3A = arith.constant 0 : i32
    %parallel_loop3A_9 = arith.constant 4096 : i32
    %parallel_loop3A_10 = arith.constant 16 : i32
    scf.for %parallel_loop3A_11 = %parallel_loop3A to %parallel_loop3A_9 step %parallel_loop3A_10  : i32 {
      %parallel_loop3A_12 = arith.index_cast %parallel_loop3A_11 : i32 to index
      %parallel_loop3A_13 = tpu.vector_load %arg11[%parallel_loop3A_12] {strides = array<i32>} : memref<4096xf32, #tpu.memory_space<vmem>>, vector<16xf32>,
      %parallel_loop3A_14 = arith.constant 0 : i32
      %parallel_loop3A_15 = vector.broadcast %parallel_loop3A_14 : i32 to vector<16xi32>
      %parallel_loop3A_16 = arith.constant 64 : i32
      %parallel_loop3A_17 = vector.broadcast %parallel_loop3A_16 : i32 to vector<16xi32>
      %parallel_loop3A_18 = arith.addi %parallel_loop3A_15, %parallel_loop3A_17 : vector<16xi32>
      %parallel_loop3A_19 = tpu.vector_load_idx %arg14[%parallel_loop3A_18] : memref<128xf32, #tpu.memory_space<vmem>>[vector<16xi32>], vector<16xf32>,
      %parallel_loop3A_20 = arith.cmpf ole, %parallel_loop3A_19, %parallel_loop3A_13 : vector<16xf32>
      %parallel_loop3A_21 = arith.select %parallel_loop3A_20, %parallel_loop3A_18, %parallel_loop3A_15 : vector<16xi1>, vector<16xi32>
      %parallel_loop3A_22 = arith.constant 32 : i32
      %parallel_loop3A_23 = vector.broadcast %parallel_loop3A_22 : i32 to vector<16xi32>
      %parallel_loop3A_24 = arith.addi %parallel_loop3A_21, %parallel_loop3A_23 : vector<16xi32>
      %parallel_loop3A_25 = tpu.vector_load_idx %arg14[%parallel_loop3A_24] : memref<128xf32, #tpu.memory_space<vmem>>[vector<16xi32>], vector<16xf32>,
      %parallel_loop3A_26 = arith.cmpf ole, %parallel_loop3A_25, %parallel_loop3A_13 : vector<16xf32>
      %parallel_loop3A_27 = arith.select %parallel_loop3A_26, %parallel_loop3A_24, %parallel_loop3A_21 : vector<16xi1>, vector<16xi32>
      %parallel_loop3A_28 = arith.constant 16 : i32
      %parallel_loop3A_29 = vector.broadcast %parallel_loop3A_28 : i32 to vector<16xi32>
      %parallel_loop3A_30 = arith.addi %parallel_loop3A_27, %parallel_loop3A_29 : vector<16xi32>
      %parallel_loop3A_31 = tpu.vector_load_idx %arg14[%parallel_loop3A_30] : memref<128xf32, #tpu.memory_space<vmem>>[vector<16xi32>], vector<16xf32>,
      %parallel_loop3A_32 = arith.cmpf ole, %parallel_loop3A_31, %parallel_loop3A_13 : vector<16xf32>
      %parallel_loop3A_33 = arith.select %parallel_loop3A_32, %parallel_loop3A_30, %parallel_loop3A_27 : vector<16xi1>, vector<16xi32>
      %parallel_loop3A_34 = arith.constant 8 : i32
      %parallel_loop3A_35 = vector.broadcast %parallel_loop3A_34 : i32 to vector<16xi32>
      %parallel_loop3A_36 = arith.addi %parallel_loop3A_33, %parallel_loop3A_35 : vector<16xi32>
      %parallel_loop3A_37 = tpu.vector_load_idx %arg14[%parallel_loop3A_36] : memref<128xf32, #tpu.memory_space<vmem>>[vector<16xi32>], vector<16xf32>,
      %parallel_loop3A_38 = arith.cmpf ole, %parallel_loop3A_37, %parallel_loop3A_13 : vector<16xf32>
      %parallel_loop3A_39 = arith.select %parallel_loop3A_38, %parallel_loop3A_36, %parallel_loop3A_33 : vector<16xi1>, vector<16xi32>
      %parallel_loop3A_40 = arith.constant 4 : i32
      %parallel_loop3A_41 = vector.broadcast %parallel_loop3A_40 : i32 to vector<16xi32>
      %parallel_loop3A_42 = arith.addi %parallel_loop3A_39, %parallel_loop3A_41 : vector<16xi32>
      %parallel_loop3A_43 = tpu.vector_load_idx %arg14[%parallel_loop3A_42] : memref<128xf32, #tpu.memory_space<vmem>>[vector<16xi32>], vector<16xf32>,
      %parallel_loop3A_44 = arith.cmpf ole, %parallel_loop3A_43, %parallel_loop3A_13 : vector<16xf32>
      %parallel_loop3A_45 = arith.select %parallel_loop3A_44, %parallel_loop3A_42, %parallel_loop3A_39 : vector<16xi1>, vector<16xi32>
      %parallel_loop3A_46 = arith.constant 2 : i32
      %parallel_loop3A_47 = vector.broadcast %parallel_loop3A_46 : i32 to vector<16xi32>
      %parallel_loop3A_48 = arith.addi %parallel_loop3A_45, %parallel_loop3A_47 : vector<16xi32>
      %parallel_loop3A_49 = tpu.vector_load_idx %arg14[%parallel_loop3A_48] : memref<128xf32, #tpu.memory_space<vmem>>[vector<16xi32>], vector<16xf32>,
      %parallel_loop3A_50 = arith.cmpf ole, %parallel_loop3A_49, %parallel_loop3A_13 : vector<16xf32>
      %parallel_loop3A_51 = arith.select %parallel_loop3A_50, %parallel_loop3A_48, %parallel_loop3A_45 : vector<16xi1>, vector<16xi32>
      %parallel_loop3A_52 = arith.constant 1 : i32
      %parallel_loop3A_53 = vector.broadcast %parallel_loop3A_52 : i32 to vector<16xi32>
      %parallel_loop3A_54 = arith.addi %parallel_loop3A_51, %parallel_loop3A_53 : vector<16xi32>
      %parallel_loop3A_55 = tpu.vector_load_idx %arg14[%parallel_loop3A_54] : memref<128xf32, #tpu.memory_space<vmem>>[vector<16xi32>], vector<16xf32>,
      %parallel_loop3A_56 = arith.cmpf ole, %parallel_loop3A_55, %parallel_loop3A_13 : vector<16xf32>
      %parallel_loop3A_57 = arith.select %parallel_loop3A_56, %parallel_loop3A_54, %parallel_loop3A_51 : vector<16xi1>, vector<16xi32>
      %parallel_loop3A_58 = tpu.vector_load_idx %arg14[%parallel_loop3A_57] : memref<128xf32, #tpu.memory_space<vmem>>[vector<16xi32>], vector<16xf32>,
      %parallel_loop3A_59 = arith.subf %parallel_loop3A_13, %parallel_loop3A_58 : vector<16xf32>
      %parallel_loop3A_60 = math.absf %parallel_loop3A_59 : vector<16xf32>
      %parallel_loop3A_61 = arith.constant 1 : i32
      %parallel_loop3A_62 = vector.broadcast %parallel_loop3A_61 : i32 to vector<16xi32>
      %parallel_loop3A_63 = arith.addi %parallel_loop3A_57, %parallel_loop3A_62 : vector<16xi32>
      %parallel_loop3A_64 = arith.constant 127 : i32
      %parallel_loop3A_65 = vector.broadcast %parallel_loop3A_64 : i32 to vector<16xi32>
      %parallel_loop3A_66 = arith.minsi %parallel_loop3A_63, %parallel_loop3A_65 : vector<16xi32>
      %parallel_loop3A_67 = tpu.vector_load_idx %arg14[%parallel_loop3A_66] : memref<128xf32, #tpu.memory_space<vmem>>[vector<16xi32>], vector<16xf32>,
      %parallel_loop3A_68 = arith.subf %parallel_loop3A_13, %parallel_loop3A_67 : vector<16xf32>
      %parallel_loop3A_69 = math.absf %parallel_loop3A_68 : vector<16xf32>
      %parallel_loop3A_70 = arith.cmpf olt, %parallel_loop3A_69, %parallel_loop3A_60 : vector<16xf32>
      %parallel_loop3A_71 = arith.select %parallel_loop3A_70, %parallel_loop3A_66, %parallel_loop3A_57 : vector<16xi1>, vector<16xi32>
      %parallel_loop3A_72 = tpu.vector_load_idx %arg15[%parallel_loop3A_71] : memref<128xf32, #tpu.memory_space<vmem>>[vector<16xi32>], vector<16xf32>,
      %parallel_loop3A_73 = arith.index_cast %parallel_loop3A_11 : i32 to index
      %parallel_loop3A_74 = tpu.vector_load %arg10[%parallel_loop3A_73] {strides = array<i32>} : memref<4096xf32, #tpu.memory_space<vmem>>, vector<16xf32>,
      %parallel_loop3A_75 = arith.subf %parallel_loop3A_74, %parallel_loop3A_72 : vector<16xf32>
      %parallel_loop3A_76 = arith.index_cast %parallel_loop3A_11 : i32 to index
      %parallel_loop3A_77 = tpu.vector_load %arg12[%parallel_loop3A_76] {strides = array<i32>} : memref<4096xf32, #tpu.memory_space<vmem>>, vector<16xf32>,
      tpu.vector_store %arg12[%parallel_loop3A_76], %parallel_loop3A_75 {strides = array<i32>} : memref<4096xf32, #tpu.memory_space<vmem>>, vector<16xf32>,
      %parallel_loop3A_78 = arith.addf %parallel_loop3A_74, %parallel_loop3A_72 : vector<16xf32>
      %parallel_loop3A_79 = arith.index_cast %parallel_loop3A_11 : i32 to index
      %parallel_loop3A_80 = tpu.vector_load %arg13[%parallel_loop3A_79] {strides = array<i32>} : memref<4096xf32, #tpu.memory_space<vmem>>, vector<16xf32>,
      tpu.vector_store %arg13[%parallel_loop3A_79], %parallel_loop3A_78 {strides = array<i32>} : memref<4096xf32, #tpu.memory_space<vmem>>, vector<16xf32>,
    } {sc.loop_unroll_factor = 8 : i64, sc.parallel_access}
    "tpu.region"() ({
      %run_scoped3A = tpu.sem_alloc : memref<!tpu.dma_semaphore, #tpu.memory_space<semaphore_mem>>
      %dma_start3A_11 = tpu.memref_slice %arg8[%mul3A_2] : memref<131072xf32, #tpu.memory_space<hbm>> -> memref<4096xf32, #tpu.memory_space<hbm>>
      %dma_start3A_12 = tpu.memref_slice %arg8[%mul3A_2] : memref<131072xf32, #tpu.memory_space<hbm>> -> memref<4096xf32, #tpu.memory_space<hbm>>
      tpu.enqueue_dma source(%arg12 : memref<4096xf32, #tpu.memory_space<vmem>>) target(%dma_start3A_12 : memref<4096xf32, #tpu.memory_space<hbm>>) target_semaphore(%run_scoped3A : memref<!tpu.dma_semaphore, #tpu.memory_space<semaphore_mem>>)
      %dma_wait3A_13 = tpu.memref_slice %arg8[%mul3A_2] : memref<131072xf32, #tpu.memory_space<hbm>> -> memref<4096xf32, #tpu.memory_space<hbm>>
      %dma_wait3A_14 = tpu.memref_slice %arg8[%mul3A_2] : memref<131072xf32, #tpu.memory_space<hbm>> -> memref<4096xf32, #tpu.memory_space<hbm>>
      tpu.wait_dma2 semaphore(%run_scoped3A : memref<!tpu.dma_semaphore, #tpu.memory_space<semaphore_mem>>) src(%arg12 : memref<4096xf32, #tpu.memory_space<vmem>>) dst(%dma_wait3A_14 : memref<4096xf32, #tpu.memory_space<hbm>>)
      tpu.yield
    }) : () -> ()
    "tpu.region"() ({
      %run_scoped3A = tpu.sem_alloc : memref<!tpu.dma_semaphore, #tpu.memory_space<semaphore_mem>>
      %dma_start3A_11 = tpu.memref_slice %arg9[%mul3A_2] : memref<131072xf32, #tpu.memory_space<hbm>> -> memref<4096xf32, #tpu.memory_space<hbm>>
      %dma_start3A_12 = tpu.memref_slice %arg9[%mul3A_2] : memref<131072xf32, #tpu.memory_space<hbm>> -> memref<4096xf32, #tpu.memory_space<hbm>>
      tpu.enqueue_dma source(%arg13 : memref<4096xf32, #tpu.memory_space<vmem>>) target(%dma_start3A_12 : memref<4096xf32, #tpu.memory_space<hbm>>) target_semaphore(%run_scoped3A : memref<!tpu.dma_semaphore, #tpu.memory_space<semaphore_mem>>)
      %dma_wait3A_13 = tpu.memref_slice %arg9[%mul3A_2] : memref<131072xf32, #tpu.memory_space<hbm>> -> memref<4096xf32, #tpu.memory_space<hbm>>
      %dma_wait3A_14 = tpu.memref_slice %arg9[%mul3A_2] : memref<131072xf32, #tpu.memory_space<hbm>> -> memref<4096xf32, #tpu.memory_space<hbm>>
      tpu.wait_dma2 semaphore(%run_scoped3A : memref<!tpu.dma_semaphore, #tpu.memory_space<semaphore_mem>>) src(%arg13 : memref<4096xf32, #tpu.memory_space<vmem>>) dst(%dma_wait3A_14 : memref<4096xf32, #tpu.memory_space<hbm>>)
      tpu.yield
    }) : () -> ()
    "tpu.region"() ({
      %run_scoped3A = tpu.sem_alloc : memref<!tpu.dma_semaphore, #tpu.memory_space<semaphore_mem>>
      %dma_start3A_11 = tpu.memref_slice %arg6[%mul3A_2] : memref<131072xf32, #tpu.memory_space<hbm>> -> memref<4096xf32, #tpu.memory_space<hbm>>
      %dma_start3A_12 = tpu.memref_slice %arg6[%mul3A_2] : memref<131072xf32, #tpu.memory_space<hbm>> -> memref<4096xf32, #tpu.memory_space<hbm>>
      tpu.enqueue_dma source(%arg10 : memref<4096xf32, #tpu.memory_space<vmem>>) target(%dma_start3A_12 : memref<4096xf32, #tpu.memory_space<hbm>>) target_semaphore(%run_scoped3A : memref<!tpu.dma_semaphore, #tpu.memory_space<semaphore_mem>>)
      %dma_wait3A_13 = tpu.memref_slice %arg6[%mul3A_2] : memref<131072xf32, #tpu.memory_space<hbm>> -> memref<4096xf32, #tpu.memory_space<hbm>>
      %dma_wait3A_14 = tpu.memref_slice %arg6[%mul3A_2] : memref<131072xf32, #tpu.memory_space<hbm>> -> memref<4096xf32, #tpu.memory_space<hbm>>
      tpu.wait_dma2 semaphore(%run_scoped3A : memref<!tpu.dma_semaphore, #tpu.memory_space<semaphore_mem>>) src(%arg10 : memref<4096xf32, #tpu.memory_space<vmem>>) dst(%dma_wait3A_14 : memref<4096xf32, #tpu.memory_space<hbm>>)
      tpu.yield
    }) : () -> ()
    "tpu.region"() ({
      %run_scoped3A = tpu.sem_alloc : memref<!tpu.dma_semaphore, #tpu.memory_space<semaphore_mem>>
      %dma_start3A_11 = tpu.memref_slice %arg7[%mul3A_2] : memref<131072xf32, #tpu.memory_space<hbm>> -> memref<4096xf32, #tpu.memory_space<hbm>>
      %dma_start3A_12 = tpu.memref_slice %arg7[%mul3A_2] : memref<131072xf32, #tpu.memory_space<hbm>> -> memref<4096xf32, #tpu.memory_space<hbm>>
      tpu.enqueue_dma source(%arg11 : memref<4096xf32, #tpu.memory_space<vmem>>) target(%dma_start3A_12 : memref<4096xf32, #tpu.memory_space<hbm>>) target_semaphore(%run_scoped3A : memref<!tpu.dma_semaphore, #tpu.memory_space<semaphore_mem>>)
      %dma_wait3A_13 = tpu.memref_slice %arg7[%mul3A_2] : memref<131072xf32, #tpu.memory_space<hbm>> -> memref<4096xf32, #tpu.memory_space<hbm>>
      %dma_wait3A_14 = tpu.memref_slice %arg7[%mul3A_2] : memref<131072xf32, #tpu.memory_space<hbm>> -> memref<4096xf32, #tpu.memory_space<hbm>>
      tpu.wait_dma2 semaphore(%run_scoped3A : memref<!tpu.dma_semaphore, #tpu.memory_space<semaphore_mem>>) src(%arg11 : memref<4096xf32, #tpu.memory_space<vmem>>) dst(%dma_wait3A_14 : memref<4096xf32, #tpu.memory_space<hbm>>)
      tpu.yield
    }) : () -> ()
    return
  }
}

</mosaic_0001>

<sc_bundles>
// kernel: kernel.3.cloned.1.call-start
scs
__scs_entry_jumppad:
0x0: {  	(pc) =	sbr.rel $0x88, $3  }
0x1: {  	(tag) =	ssettag $0x0;
	lr =	simm.s32 $0x1  }
0x2: {  	[smem:$0x3F9C] =	sst lr;
	_ =	strace $0xD0000000  }
0x3: {  	_ = 	snop  }
0x4: {  	_ = 	snop  }
0x5: {  	_ = 	snop  }
0x6: {  	_ = 	snop  }
0x7: {  	_ = 	snop  }
__scs_overlays_trampoline_lowered:
0x8: {  	[smem:$0x3FAB] =	sst s0  }
0x9: {  	[smem:$0x3FAC] =	sst s1  }
0xa: {  	[smem:$0x3FAD] =	sst s2  }
0xb: {  	[smem:$0x3FAE] =	sst s3  }
0xc: {  	[smem:$0x3FAF] =	sst s4  }
0xd: {  	[smem:$0x3FB0] =	sst s5  }
0xe: {  	[smem:$0x3FB1] =	sst s6  }
0xf: {  	[smem:$0x3FB2] =	sst s7  }
0x10: {  	[smem:$0x3FB3] =	sst s8  }
0x11: {  	[smem:$0x3FB4] =	sst s9;
	s0 =	simm.s32 @!p0 $0x0  }
0x12: {  	s1 =	sld [smem:$0x3F9A];
	s0 =	simm.s32 @p0 $0x1  }
0x13: {  	[smem:$0x3FB5] =	sst s0;
	s0 =	simm.s32 @!p1 $0x0  }
0x14: {  	s2 =	sld [smem:$0x3F99];
	s0 =	simm.s32 @p1 $0x1  }
0x15: {  	[smem:$0x3FB6] =	sst s0;
	s0 =	simm.s32 @!p2 $0x0  }
0x16: {  	s3 =	sld [smem:$0x3FDB];
	s0 =	simm.s32 @p2 $0x1  }
0x17: {  	s4 =	simm.s32 $0x1BF5;
	[smem:$0x3FB8] =	sst s0  }
0x18: {  	s0 =	sld [smem:$0x3F9B];
	_ =	swait.ge [sflag:s4], $0x0  }
0x19: {  	s7 =	sld [smem:$0x3F9C]  }
0x1a: {  	s8 =	sadd.s32 $0xFFFFE003, lr  }
0x1b: {  	s9 =	sadd.s32 $0xFFFFFEF7, lr;
	s5 =	simm.s32 $0xFFFFFFFF;
	p2 =	slt.u32 s8, $0xFFFFF086  }
0x1c: {  	p1 =	slt.u32 s9, $0xF7A;
	s5 =	simm.s32 @!p2 $0x0  }
0x1d: {  	s5 =	simm.s32 @p1 $0x1;
	p0 =	seq.s32 s7, s2  }
0x1e: {  	s7 =	smul.u32 @!p0 $0xF7A, s2;
	p2 =	seq.s32 @!p0 s5, $0x0  }
0x1f: {  	s9 =	smul.u32 $0xF7A, s1;
	s8 =	simm.s32 @!p0 $0x1BF5;
	p2 =	por !p2, p0  }
0x20: {  	[sflag:s8] =	ssyncset.s32 @!p0 $0xFFFFF086;
	s6 =	sadd.s32 @!p0 s3, s7;
	s7 =	simm.s32 @!p0 $0x108  }
0x21: {  	s3 =	sadd.s32 s3, s9;
	s6 =	sadd.s32 @!p0 $0x88, s6;
	s7 =	simm.s32 @p2 $0x1082  }
0x22: {  	[simem:s7], [sflag:s8] =	dma.local @!p0 [hbm:s6], $0xF7A  }
0x23: {  	s9 =	sor.u32 $0xD0000000, s2;
	s6 =	simm.s32 $0x108;
	_ =	swait.ge @!p0 [sflag:s8], $0x0  }
0x24: {  	s3 =	sadd.s32 $0x88, s3;
	s6 =	simm.s32 @!p1 $0x1082;
	[sflag:s4] =	ssyncset.s32 $0xFFFFF086  }
0x25: {  	[simem:s6], [sflag:s4] =	dma.local [hbm:s3], $0xF7A  }
0x26: {  	[smem:$0x3F9C] =	sst s1;
	(tag) =	ssettag s2;
	_ =	strace s9  }
0x27: {  	s1 =	sld [smem:$0x3FAC]  }
0x28: {  	s2 =	sld [smem:$0x3FAD]  }
0x29: {  	s4 =	sld [smem:$0x3FAF]  }
0x2a: {  	p0 =	seq.s32 s5, $0x0;
	s5 =	sld [smem:$0x3FB0]  }
0x2b: {  	s6 =	sld [smem:$0x3FB1]  }
0x2c: {  	s7 =	sld [smem:$0x3FB2]  }
0x2d: {  	s3 =	simm.s32 $0x108;
	s8 =	sld [smem:$0x3FB3]  }
0x2e: {  	s3 =	simm.s32 @!p0 $0x1082;
	s9 =	sld [smem:$0x3FB4]  }
0x2f: {  	lr =	sadd.s32 s0, s3;
	s0 =	sld [smem:$0x3FAB]  }
0x30: {  	s3 =	sld [smem:$0x3FAE]  }
0x31: {  	[smem:$0x3FB7] =	sst s10  }
0x32: {  	s10 =	sld [smem:$0x3FB5];
	_ =	sdelay $0x3  }
0x33: {  	p0 =	seq.s32 s10, $0x1;
	s10 =	sld [smem:$0x3FB7];
	_ =	sdelay $0x3  }
0x34: {  	[smem:$0x3FB7] =	sst s10  }
0x35: {  	s10 =	sld [smem:$0x3FB6];
	_ =	sdelay $0x3  }
0x36: {  	p1 =	seq.s32 s10, $0x1;
	s10 =	sld [smem:$0x3FB7];
	_ =	sdelay $0x3  }
0x37: {  	[smem:$0x3FB7] =	sst s10  }
0x38: {  	s10 =	sld [smem:$0x3FB8]  }
0x39: {  	_ = 	snop;
	(pc) =	sbr.ind lr, $3  }
0x3a: {  	_ = 	snop  }
0x3b: {  	_ = 	snop  }
0x3c: {  	p2 =	seq.s32 s10, $0x1;
	s10 =	sld [smem:$0x3FB7]  }
0x3d: {  	_ =	shalt  }
0x3e: {  	_ =	shalt  }
0x3f: {  	_ =	shalt  }
0x40: {  	_ =	shalt  }
0x41: {  	_ =	shalt  }
0x42: {  	_ =	shalt  }
0x43: {  	_ =	shalt  }
0x44: {  	_ =	shalt  }
0x45: {  	_ =	shalt  }
0x46: {  	_ =	shalt  }
0x47: {  	_ =	shalt  }
0x48: {  	_ =	shalt  }
0x49: {  	_ =	shalt  }
0x4a: {  	_ =	shalt  }
0x4b: {  	_ =	shalt  }
0x4c: {  	_ =	shalt  }
0x4d: {  	_ =	shalt  }
0x4e: {  	_ =	shalt  }
0x4f: {  	_ =	shalt  }
0x50: {  	_ =	shalt  }
0x51: {  	_ =	shalt  }
0x52: {  	_ =	shalt  }
0x53: {  	_ =	shalt  }
0x54: {  	_ =	shalt  }
0x55: {  	_ =	shalt  }
0x56: {  	_ =	shalt  }
0x57: {  	_ =	shalt  }
0x58: {  	_ =	shalt  }
0x59: {  	_ =	shalt  }
0x5a: {  	_ =	shalt  }
0x5b: {  	_ =	shalt  }
0x5c: {  	_ =	shalt  }
0x5d: {  	_ =	shalt  }
0x5e: {  	_ =	shalt  }
0x5f: {  	_ =	shalt  }
0x60: {  	_ =	shalt  }
0x61: {  	_ =	shalt  }
0x62: {  	_ =	shalt  }
0x63: {  	_ =	shalt  }
0x64: {  	_ =	shalt  }
0x65: {  	_ =	shalt  }
0x66: {  	_ =	shalt  }
0x67: {  	_ =	shalt  }
0x68: {  	_ =	shalt  }
0x69: {  	_ =	shalt  }
0x6a: {  	_ =	shalt  }
0x6b: {  	_ =	shalt  }
0x6c: {  	_ =	shalt  }
0x6d: {  	_ =	shalt  }
0x6e: {  	_ =	shalt  }
0x6f: {  	_ =	shalt  }
0x70: {  	_ =	shalt  }
0x71: {  	_ =	shalt  }
0x72: {  	_ =	shalt  }
0x73: {  	_ =	shalt  }
0x74: {  	_ =	shalt  }
0x75: {  	_ =	shalt  }
0x76: {  	_ =	shalt  }
0x77: {  	_ =	shalt  }
0x78: {  	_ =	shalt  }
0x79: {  	_ =	shalt  }
0x7a: {  	_ =	shalt  }
0x7b: {  	_ =	shalt  }
0x7c: {  	_ =	shalt  }
0x7d: {  	_ =	shalt  }
0x7e: {  	_ =	shalt  }
0x7f: {  	_ =	shalt  }
0x80: {  	_ =	shalt  }
0x81: {  	_ =	shalt  }
0x82: {  	_ =	shalt  }
0x83: {  	_ =	shalt  }
0x84: {  	_ =	shalt  }
0x85: {  	_ =	shalt  }
0x86: {  	_ =	shalt  }
0x87: {  	_ =	shalt  }
.Lfunc_end0:
.L_simem_size_0:
called_computation_lowered:
.L_overlay_start_0:
0x88: {  	s2 =	sld [smem:$0x3FD9]  }
0x89: {  	s3 =	sld [smem:$0x3FFE];
	_ =	sdelay $0x1  }
0x8a: {  	s1 =	srdreg.scid  }
0x8b: {  	s0 =	sand.u32 $0x1, s1  }
0x8c: {  	s15 =	sshll.u32 s0, $0xA;
	s2 =	sadd.s32 s3, s2  }
0x8d: {  	s2 =	sadd.s32 s2, s15  }
0x8e: {  	[smem:$0x3FC3] =	sst s2  }
0x8f: {  	_ = 	snop  }
0x90: {  	s2 =	sld [smem:$0x3FC8]  }
0x91: {  	s16 =	sld [smem:$0x3FD0]  }
0x92: {  	s4 =	sld [smem:$0x3FC7]  }
0x93: {  	s5 =	sld [smem:$0x3FC6]  }
0x94: {  	s7 =	simm.s32 $0xA;
	s8 =	simm.s32 $0x10;
	s6 =	sld [smem:$0x3FC5]  }
0x95: {  	[smem:s8], [sflag:s7] =	dma.local [hbm:s16], $0x1  }
0x96: {  	_ =	swait.eq [sflag:s7], $0x1  }
0x97: {  	s17 =	sld [smem:$0x11]  }
0x98: {  	s18 =	sld [smem:$0x12];
	[sflag:s7] =	ssyncset.done $0x0  }
0x99: {  	s9 =	sld [smem:$0x13];
	[sflag:s7] =	ssyncadd.s32 $0xFFFFFFFF  }
0x9a: {  	s19 =	sld [smem:$0x14];
	(tm) =	ssettm $0x1  }
0x9b: {  	s10 =	sld [smem:$0x3FFB];
	_ =	sdelay $0x3  }
0x9c: {  	_ =	strace s10  }
0x9d: {  	s10 =	sld [smem:$0x3FFC];
	_ =	sdelay $0x3  }
0x9e: {  	_ =	strace s10  }
0x9f: {  	s10 =	sld [smem:$0x3FFD];
	_ =	sdelay $0x3  }
0xa0: {  	_ =	strace s10  }
0xa1: {  	_ =	strace $0x8FFFFFFF  }
0xa2: {  	s20 =	sld [smem:$0x3FDB];
	_ =	sdelay $0x1  }
0xa3: {  	s11 =	simm.s32 $_scs_section_size  }
0xa4: {  	s12 =	simm.s32 $_size__tile_overlayer_lowered;
	s13 =	simm.s32 $_tile_overlayer_lowered  }
0xa5: {  	s23 =	simm.s32 $0x1BFF;
	s22 =	sshll.u32 s13, $0x1;
	s10 =	sadd.s32 s11, s20  }
0xa6: {  	s14 =	simm.s32 $0x0;
	s21 =	sshll.u32 s12, $0x1;
	s12 =	sadd.s32 s22, s10  }
0xa7: {  	[timem:s14], [sflag:s23] =	dma.local [hbm:s12], s21  }
0xa8: {  	_ =	swait.ge [sflag:s23], s21  }
0xa9: {  	s11 =	ssub.s32 $0x0, s21;
	[sflag:s23] =	ssyncset.done $0x0  }
0xaa: {  	[sflag:s23] =	ssyncadd.s32 s11;
	_ =	sdelay $0x1  }
0xab: {  	s24 =	simm.s32 $0x1B8B  }
0xac: {  	_ =	swait.ge [sflag:s24], $0x1  }
0xad: {  	[sflag:s24] =	ssyncset.done $0x0  }
0xae: {  	s25 =	simm.s32 $0x1B8E;
	[sflag:s24] =	ssyncadd.s32 $0xFFFFFFFF  }
0xaf: {  	s26 =	simm.s32 $execute0_lowered;
	[smem:$0x3FD2] =	sst s25  }
0xb0: {  	s11 =	sshll.u32 s26, $0x1;
	_ =	strace $0x80000046;
	[dreg:$0x1] =	wrdreg $0xFFFFFFFF  }
0xb1: {  	s28 =	simm.s32 $_size_execute0_lowered;
	s10 =	sadd.s32 s10, s11;
	[dreg:$0x0] =	wrdreg $0x0  }
0xb2: {  	s11 =	sshll.u32 s28, $0x1;
	[dreg:$0x2] =	wrdreg s10  }
0xb3: {  	[dreg:$0x3] =	wrdreg s11  }
0xb4: {  	[dreg:$0x4] =	wrdreg $0xC0  }
0xb5: {  	_ =	task [dreg:s14], $0x5FFFF  }
0xb6: {  	[dreg:$0x1] =	wrdreg $0xFFFFFFFF  }
0xb7: {  	[dreg:$0x0] =	wrdreg $0x60  }
0xb8: {  	[dreg:$0x2] =	wrdreg s2  }
0xb9: {  	[dreg:$0x3] =	wrdreg s4  }
0xba: {  	[dreg:$0x4] =	wrdreg s5  }
0xbb: {  	[dreg:$0x5] =	wrdreg s6  }
0xbc: {  	[dreg:$0x6] =	wrdreg s17  }
0xbd: {  	[dreg:$0x7] =	wrdreg s18  }
0xbe: {  	[dreg:$0x8] =	wrdreg s9  }
0xbf: {  	[dreg:$0x9] =	wrdreg s19  }
0xc0: {  	[dreg:$0xa] =	wrdreg $0x9  }
0xc1: {  	_ =	task.clear_ibuf [dreg:s14], $0xBFFFF;
	_ =	strace $0x90000046  }
0xc2: {  	s29 =	simm.s32 $0x9;
	_ =	strace $0x80000048  }
0xc3: {  	_ =	swait.ge [sflag:s29], $0x1  }
0xc4: {  	[sflag:s29] =	ssyncadd.s32 $0xFFFFFFFF  }
0xc5: {  	_ =	strace $0x90000048  }
0xc6: {  	_ =	sfence  }
0xc7: {  	s30 =	sld [smem:$0x0];
	_ =	sdelay $0x2  }
0xc8: {  	s31 =	sshll.u32 s1, $0xD;
	s1 =	sshrl.u32 s1, $0x2  }
0xc9: {  	s3 =	sand.u32 $0x4000, s31;
	s1 =	sadd.s32 s1, s30  }
0xca: {  	s0 =	sor.u32 s3, s0;
	s1 =	sshll.u32 s1, $0x11  }
0xcb: {  	s0 =	sor.u32 s1, s0  }
0xcc: {  	s0 =	sadd.s32 $0x8F2B, s0  }
0xcd: {  	[sflag:s0] =	ssyncadd.remote.s32 $0x1  }
0xce: {  	_ =	sfence.sel $0xFFFF  }
0xcf: {  	[dreg:$0x0] =	wrdreg $0xFFFFFFFF;
	(pc) =	sbr.abs _section_cstart, $3  }
0xd0: {  	[dreg:$0x1] =	wrdreg $0xFFFFFFFF  }
0xd1: {  	_ =	task.clear_ibuf [dreg:s14], $0x2FFFF;
	_ =	strace $0x9FFFFFFF  }
0xd2: {  	(tm) =	ssettm $0x7FFFFFFF  }
0xd3: {  	_ =	shalt  }
tec
execute0_lowered:
.L_overlay_start_1:
0x0: {  	(tag) =	ssettag $0x1  }
0x1: {  	s5 =	rddreg [dreg:$0x0]  }
0x2: {  	s6 =	rddreg [dreg:$0x1]  }
0x3: {  	s0 =	rddreg [dreg:$0x2]  }
0x4: {  	s2 =	rddreg [dreg:$0x3]  }
0x5: {  	s9 =	rddreg [dreg:$0x4]  }
0x6: {  	s10 =	rddreg [dreg:$0x5]  }
0x7: {  	s7 =	rddreg [dreg:$0x6]  }
0x8: {  	s8 =	rddreg [dreg:$0x7];
	s3 =	srdreg.scid  }
0x9: {  	s1 =	rddreg [dreg:$0x8];
	s4 =	simm.s32 $0x0;
	s15 =	simm.s32 $0x1  }
0xa: {  	s16 =	simm.s32 $0x2000;
	s17 =	simm.s32 $0x2;
	s18 =	simm.s32 $0x3000  }
0xb: {  	s19 =	simm.s32 $0x0;
	s11 =	sand.u32 $0x1, s3;
	s3 =	stileid.u32  }
0xc: {  	[smem:$0x7FF] =	sst s4;
	s12 =	ssub.s32 $0x2, s11;
	s14 =	sshll.u32 s3, $0xA  }
0xd: {  	v0 =	vimm.s32 $0x40;
	s11 =	sshll.u32 s11, $0x9;
	_ =	strace $0x80000047;
	s13 =	sshrl.u32 s12, $0x1  }
0xe: {  	s11 =	sor.u32 s11, s14;
	s14 =	simm.s32 $0x1000;
	s12 =	ssub.s32 s12, s13  }
0xf: {  	s5 =	sadd.s32 s5, s11;
	s6 =	sadd.s32 s6, s11;
	s7 =	sadd.s32 s7, s11  }
0x10: {  	s8 =	sadd.s32 s8, s11;
	s9 =	sadd.s32 s9, s11;
	s10 =	sadd.s32 s10, s11  }
0x11: {  	v1 =	vimm.s32 $0x0;
	s13 =	simm.s32 $0x4080;
	s11 =	smax.u32 s12, $0x1;
	s12 =	simm.s32 $0x4000  }
.LBB2_1:
0x12: {  	[tilespmem:s12], [sflag:$0x1] =	stream.linear.gather [hbm4b:s2+s4], $0x80, $0x38;
	[tilespmem:$0x4100] =	vst v63  }
0x13: {  	_ = 	snop  }
0x14: {  	[tilespmem:s13], [sflag:$0x1] =	stream.linear.gather [hbm4b:s0+s4], $0x80, $0x38;
	[tilespmem:$0x4100] =	vst v63  }
0x15: {  	_ = 	snop  }
0x16: {  	[tilespmem:s4], [sflag:$0x1] =	stream.linear.gather [hbm4b:s5+s4], $0x1000, $0x38;
	[tilespmem:$0x4100] =	vst v63  }
0x17: {  	_ = 	snop  }
0x18: {  	[tilespmem:s14], [sflag:$0x1] =	stream.linear.gather [hbm4b:s6+s4], $0x1000, $0x38;
	[tilespmem:$0x4100] =	vst v63  }
0x19: {  	_ =	swait.ge [sflag:s15], $0x80  }
0x1a: {  	[sflag:s15] =	ssyncset.done $0x0  }
0x1b: {  	[sflag:s15] =	ssyncadd.s32 $0xFFFFFF80  }
0x1c: {  	_ =	swait.ge [sflag:s15], $0x80  }
0x1d: {  	[sflag:s15] =	ssyncset.done $0x0  }
0x1e: {  	[sflag:s15] =	ssyncadd.s32 $0xFFFFFF80  }
0x1f: {  	_ =	swait.ge [sflag:s15], $0x1000  }
0x20: {  	[sflag:s15] =	ssyncset.done $0x0  }
0x21: {  	[sflag:s15] =	ssyncadd.s32 $0xFFFFF000  }
0x22: {  	_ =	swait.ge [sflag:s15], $0x1000  }
0x23: {  	[sflag:s15] =	ssyncset.done $0x0  }
0x24: {  	[sflag:s15] =	ssyncadd.s32 $0xFFFFF000  }
0x25: {  	s20 =	simm.s32 $0x1040;
	v2 =	vld.idx.msk [tilespmem:v0+s12+$0x0], $0xffff  }
0x26: {  	v9 =	vld [tilespmem:s20+$0x30];
	_ =	sdelay $0x4  }
0x27: {  	v15 =	vld [tilespmem:s20+$0xFFFFFFD0];
	vm0 =	vle.f32 v2, v9  }
0x28: {  	v16 =	vld [tilespmem:s20+$0xFFFFFFC0];
	v3 =	vsel vm0, $0x40, v1  }
0x29: {  	v14 =	vld [tilespmem:s20+$0xFFFFFFE0];
	v4 =	vor.u32 $0x20, v3;
	_ =	sdelay $0x1  }
0x2a: {  	v13 =	vld [tilespmem:s20+$0xFFFFFFF0]  }
0x2b: {  	vm14 =	vle.f32 v2, v15  }
0x2c: {  	vm4 =	vle.f32 v2, v16;
	v5 =	vsel vm14, $0x40, v1  }
0x2d: {  	vm15 =	vle.f32 v2, v14;
	v17 =	vsel vm4, $0x40, v1;
	v8 =	vor.u32 $0x20, v5;
	v6 =	vld.idx.msk [tilespmem:v4+s12+$0x0], $0xffff  }
0x2e: {  	v12 =	vld [tilespmem:s20+$0x0];
	v7 =	vsel vm15, $0x40, v1;
	v20 =	vor.u32 $0x20, v17  }
0x2f: {  	v11 =	vld [tilespmem:s20+$0x10];
	vm1 =	vle.f32 v2, v13;
	v18 =	vor.u32 $0x20, v7  }
0x30: {  	v10 =	vld [tilespmem:s20+$0x20];
	v19 =	vsel vm1, $0x40, v1  }
0x31: {  	v21 =	vor.u32 $0x20, v19  }
0x32: {  	vm5 =	vle.f32 v6, v9;
	v6 =	vld.idx.msk [tilespmem:v8+s12+$0x0], $0xffff  }
0x33: {  	vm6 =	vle.f32 v2, v12;
	v23 =	vld.idx.msk [tilespmem:v20+s12+$0x0], $0xffff;
	v3 =	vsel vm5, v4, v3  }
0x34: {  	v24 =	vsel vm6, $0x40, v1;
	v4 =	vld.idx.msk [tilespmem:v18+s12+$0x0], $0xffff;
	v22 =	vor.u32 $0x10, v3  }
0x35: {  	vm7 =	vle.f32 v2, v11;
	vm8 =	vle.f32 v2, v10;
	v2 =	vor.u32 $0x20, v24  }
0x36: {  	v26 =	vsel vm7, $0x40, v1;
	v25 =	vld.idx.msk [tilespmem:v21+s12+$0x0], $0xffff  }
0x37: {  	v27 =	vsel vm8, $0x40, v1;
	v28 =	vor.u32 $0x20, v26;
	vm9 =	vle.f32 v6, v15  }
0x38: {  	vm11 =	vle.f32 v23, v16;
	v6 =	vor.u32 $0x20, v27;
	v5 =	vsel vm9, v8, v5  }
0x39: {  	vm10 =	vle.f32 v4, v14;
	v8 =	vsel vm11, v20, v17;
	v29 =	vld.idx.msk [tilespmem:v22+s12+$0x0], $0xffff;
	v4 =	vor.u32 $0x10, v5  }
0x3a: {  	v7 =	vsel vm10, v18, v7;
	v18 =	vld.idx.msk [tilespmem:v2+s12+$0x0], $0xffff;
	v20 =	vor.u32 $0x10, v8  }
0x3b: {  	vm12 =	vle.f32 v25, v13;
	v17 =	vor.u32 $0x10, v7  }
0x3c: {  	v19 =	vsel vm12, v21, v19;
	v21 =	vld.idx.msk [tilespmem:v28+s12+$0x0], $0xffff  }
0x3d: {  	v23 =	vor.u32 $0x10, v19;
	v25 =	vld.idx.msk [tilespmem:v6+s12+$0x0], $0xffff  }
0x3e: {  	vm13 =	vle.f32 v29, v9;
	v29 =	vld.idx.msk [tilespmem:v4+s12+$0x0], $0xffff  }
0x3f: {  	vm14 =	vle.f32 v18, v12;
	v18 =	vld.idx.msk [tilespmem:v20+s12+$0x0], $0xffff;
	v3 =	vsel vm13, v22, v3  }
0x40: {  	v22 =	vld.idx.msk [tilespmem:v17+s12+$0x0], $0xffff;
	v2 =	vsel vm14, v2, v24;
	v30 =	vor.u32 $0x8, v3  }
0x41: {  	vm15 =	vle.f32 v21, v11;
	v24 =	vor.u32 $0x10, v2  }
0x42: {  	v21 =	vld.idx.msk [tilespmem:v23+s12+$0x0], $0xffff;
	v26 =	vsel vm15, v28, v26;
	vm4 =	vle.f32 v25, v10  }
0x43: {  	v25 =	vor.u32 $0x10, v26;
	v6 =	vsel vm4, v6, v27;
	vm5 =	vle.f32 v29, v15  }
0x44: {  	v27 =	vor.u32 $0x10, v6;
	vm7 =	vle.f32 v18, v16;
	v4 =	vsel vm5, v4, v5  }
0x45: {  	vm6 =	vle.f32 v22, v14;
	v8 =	vsel vm7, v20, v8;
	v28 =	vld.idx.msk [tilespmem:v30+s12+$0x0], $0xffff;
	v5 =	vor.u32 $0x8, v4  }
0x46: {  	v7 =	vsel vm6, v17, v7;
	v18 =	vld.idx.msk [tilespmem:v24+s12+$0x0], $0xffff;
	v20 =	vor.u32 $0x8, v8  }
0x47: {  	vm8 =	vle.f32 v21, v13;
	v17 =	vor.u32 $0x8, v7  }
0x48: {  	v19 =	vsel vm8, v23, v19;
	v21 =	vld.idx.msk [tilespmem:v25+s12+$0x0], $0xffff  }
0x49: {  	v22 =	vor.u32 $0x8, v19;
	v23 =	vld.idx.msk [tilespmem:v27+s12+$0x0], $0xffff  }
0x4a: {  	vm9 =	vle.f32 v28, v9;
	v28 =	vld.idx.msk [tilespmem:v5+s12+$0x0], $0xffff  }
0x4b: {  	vm10 =	vle.f32 v18, v12;
	v18 =	vld.idx.msk [tilespmem:v20+s12+$0x0], $0xffff;
	v3 =	vsel vm9, v30, v3  }
0x4c: {  	v29 =	vld.idx.msk [tilespmem:v17+s12+$0x0], $0xffff;
	v2 =	vsel vm10, v24, v2;
	v30 =	vadd.s32 $0x4, v3  }
0x4d: {  	vm11 =	vle.f32 v21, v11;
	v24 =	vor.u32 $0x8, v2  }
0x4e: {  	v21 =	vld.idx.msk [tilespmem:v22+s12+$0x0], $0xffff;
	v25 =	vsel vm11, v25, v26;
	vm12 =	vle.f32 v23, v10  }
0x4f: {  	v23 =	vor.u32 $0x8, v25;
	v6 =	vsel vm12, v27, v6;
	vm13 =	vle.f32 v28, v15  }
0x50: {  	v26 =	vor.u32 $0x8, v6;
	vm15 =	vle.f32 v18, v16;
	v4 =	vsel vm13, v5, v4  }
0x51: {  	vm14 =	vle.f32 v29, v14;
	v8 =	vsel vm15, v20, v8;
	v27 =	vld.idx.msk [tilespmem:v30+s12+$0x0], $0xffff;
	v5 =	vadd.s32 $0x4, v4  }
0x52: {  	v7 =	vsel vm14, v17, v7;
	v18 =	vld.idx.msk [tilespmem:v24+s12+$0x0], $0xffff;
	v20 =	vadd.s32 $0x4, v8  }
0x53: {  	vm4 =	vle.f32 v21, v13;
	v17 =	vadd.s32 $0x4, v7  }
0x54: {  	v19 =	vsel vm4, v22, v19;
	v21 =	vld.idx.msk [tilespmem:v23+s12+$0x0], $0xffff  }
0x55: {  	v22 =	vadd.s32 $0x4, v19;
	v28 =	vld.idx.msk [tilespmem:v26+s12+$0x0], $0xffff  }
0x56: {  	vm5 =	vle.f32 v27, v9;
	v27 =	vld.idx.msk [tilespmem:v5+s12+$0x0], $0xffff  }
0x57: {  	vm6 =	vle.f32 v18, v12;
	v18 =	vld.idx.msk [tilespmem:v20+s12+$0x0], $0xffff;
	v3 =	vsel vm5, v30, v3  }
0x58: {  	v29 =	vld.idx.msk [tilespmem:v17+s12+$0x0], $0xffff;
	v2 =	vsel vm6, v24, v2;
	v30 =	vadd.s32 $0x2, v3  }
0x59: {  	vm7 =	vle.f32 v21, v11;
	v24 =	vadd.s32 $0x4, v2  }
0x5a: {  	v21 =	vld.idx.msk [tilespmem:v22+s12+$0x0], $0xffff;
	v23 =	vsel vm7, v23, v25;
	vm8 =	vle.f32 v28, v10  }
0x5b: {  	v25 =	vadd.s32 $0x4, v23;
	v6 =	vsel vm8, v26, v6;
	vm9 =	vle.f32 v27, v15  }
0x5c: {  	v26 =	vadd.s32 $0x4, v6;
	vm11 =	vle.f32 v18, v16;
	v4 =	vsel vm9, v5, v4  }
0x5d: {  	vm10 =	vle.f32 v29, v14;
	v8 =	vsel vm11, v20, v8;
	v27 =	vld.idx.msk [tilespmem:v30+s12+$0x0], $0xffff;
	v5 =	vadd.s32 $0x2, v4  }
0x5e: {  	v7 =	vsel vm10, v17, v7;
	v18 =	vld.idx.msk [tilespmem:v24+s12+$0x0], $0xffff;
	v20 =	vadd.s32 $0x2, v8  }
0x5f: {  	vm12 =	vle.f32 v21, v13;
	v17 =	vadd.s32 $0x2, v7  }
0x60: {  	v19 =	vsel vm12, v22, v19;
	v21 =	vld.idx.msk [tilespmem:v25+s12+$0x0], $0xffff  }
0x61: {  	v22 =	vadd.s32 $0x2, v19;
	v28 =	vld.idx.msk [tilespmem:v26+s12+$0x0], $0xffff  }
0x62: {  	vm13 =	vle.f32 v27, v9;
	v27 =	vld.idx.msk [tilespmem:v5+s12+$0x0], $0xffff  }
0x63: {  	vm14 =	vle.f32 v18, v12;
	v18 =	vld.idx.msk [tilespmem:v20+s12+$0x0], $0xffff;
	v3 =	vsel vm13, v30, v3  }
0x64: {  	v29 =	vld.idx.msk [tilespmem:v17+s12+$0x0], $0xffff;
	v2 =	vsel vm14, v24, v2;
	v30 =	vadd.s32 $0x1, v3  }
0x65: {  	vm15 =	vle.f32 v21, v11;
	v24 =	vadd.s32 $0x2, v2  }
0x66: {  	v21 =	vld.idx.msk [tilespmem:v22+s12+$0x0], $0xffff;
	v23 =	vsel vm15, v25, v23;
	vm4 =	vle.f32 v28, v10  }
0x67: {  	v25 =	vadd.s32 $0x2, v23;
	v6 =	vsel vm4, v26, v6;
	vm5 =	vle.f32 v27, v15  }
0x68: {  	v26 =	vadd.s32 $0x2, v6;
	v4 =	vsel vm5, v5, v4  }
0x69: {  	vm7 =	vle.f32 v18, v16;
	vm6 =	vle.f32 v29, v14;
	v27 =	vld.idx.msk [tilespmem:v30+s12+$0x0], $0xffff;
	v18 =	vadd.s32 $0x1, v4  }
0x6a: {  	v28 =	vsel vm6, v17, v7;
	v5 =	vld.idx.msk [tilespmem:v24+s12+$0x0], $0xffff  }
0x6b: {  	v34 =	vld.idx.msk [tilespmem:v0+s12+$0x0], $0xffff;
	v29 =	vsel vm7, v20, v8;
	vm8 =	vle.f32 v21, v13;
	v20 =	vadd.s32 $0x1, v28  }
0x6c: {  	v21 =	vadd.s32 $0x1, v29;
	v19 =	vsel vm8, v22, v19;
	v7 =	vld.idx.msk [tilespmem:v25+s12+$0x0], $0xffff  }
0x6d: {  	v31 =	vadd.s32 $0x1, v19;
	v17 =	vld.idx.msk [tilespmem:v26+s12+$0x0], $0xffff  }
0x6e: {  	s21 =	simm.s32 $0x10C0;
	v22 =	vld.idx.msk [tilespmem:v18+s12+$0x0], $0xffff  }
0x6f: {  	vm9 =	vle.f32 v27, v9;
	vm10 =	vle.f32 v5, v12;
	v5 =	vld [tilespmem:s21+$0xFFFFFFE0]  }
0x70: {  	v27 =	vsel vm9, v30, v3;
	v3 =	vld.idx.msk [tilespmem:v20+s12+$0x0], $0xffff  }
0x71: {  	v30 =	vld.idx.msk [tilespmem:v21+s12+$0x0], $0xffff  }
0x72: {  	v32 =	vld.idx.msk [tilespmem:v31+s12+$0x0], $0xffff  }
0x73: {  	v24 =	vsel vm10, v24, v2;
	vm11 =	vle.f32 v7, v11;
	v7 =	vld [tilespmem:s21+$0xFFFFFFD0];
	v8 =	vmin.u32 v27, $0x7E  }
0x74: {  	v2 =	vld [tilespmem:s21+$0x20];
	v38 =	vsel vm11, v25, v23;
	v33 =	vadd.s32 $0x1, v8;
	vm12 =	vle.f32 v17, v10  }
0x75: {  	v37 =	vadd.s32 $0x1, v24;
	v8 =	vld [tilespmem:s21+$0x30];
	v39 =	vadd.s32 $0x1, v38;
	v26 =	vsel vm12, v26, v6  }
0x76: {  	v40 =	vadd.s32 $0x1, v26;
	vm13 =	vle.f32 v22, v15;
	vm7 =	vle.f32 v34, v5  }
0x77: {  	v6 =	vld [tilespmem:s21+$0xFFFFFFF0];
	v17 =	vsel vm13, v18, v4;
	vm14 =	vle.f32 v3, v14;
	vm2 =	vle.f32 v30, v16  }
0x78: {  	v35 =	vld.idx.msk [tilespmem:v27+s12+$0x0], $0xffff;
	vm4 =	vle.f32 v32, v13;
	vm6 =	vle.f32 v34, v7;
	v41 =	vsel vm7, $0x40, v1  }
0x79: {  	vm13 =	vle.f32 v34, v2;
	v18 =	vmin.u32 v17, $0x7E;
	v20 =	vsel vm14, v20, v28;
	v36 =	vld.idx.msk [tilespmem:v33+s12+$0x0], $0xffff  }
0x7a: {  	v4 =	vld [tilespmem:s21+$0x0];
	v29 =	vsel vm2, v21, v29;
	v45 =	vor.u32 $0x20, v41;
	vm15 =	vle.f32 v34, v8  }
0x7b: {  	v3 =	vld [tilespmem:s21+$0x10];
	v56 =	vsel vm13, $0x40, v1;
	v21 =	vmin.u32 v29, $0x7E;
	v30 =	vsel vm15, $0x40, v1  }
0x7c: {  	v60 =	vld.idx.msk [tilespmem:v37+s12+$0x0], $0xffff;
	v59 =	vmin.u32 v20, $0x7E;
	v22 =	vadd.s32 $0x1, v18;
	v28 =	vor.u32 $0x20, v30  }
0x7d: {  	v32 =	vadd.s32 $0x1, v21;
	v21 =	vsel vm4, v31, v19;
	v31 =	vld.idx.msk [tilespmem:v39+s12+$0x0], $0xffff;
	vm9 =	vle.f32 v34, v6  }
0x7e: {  	v47 =	vsel vm9, $0x40, v1;
	v23 =	vsub.f32 v9, v35;
	v25 =	vsub.f32 v9, v36;
	v9 =	vld [tilespmem:s21+$0xFFFFFFC0]  }
0x7f: {  	v58 =	vor.u32 $0x20, v56;
	v61 =	vld.idx.msk [tilespmem:v40+s12+$0x0], $0xffff;
	vm10 =	vle.f32 v34, v4;
	v51 =	vor.u32 $0x20, v47  }
0x80: {  	v50 =	vsel vm10, $0x40, v1;
	v62 =	vld.idx.msk [tilespmem:v45+s12+$0x0], $0xffff;
	v18 =	vand.u32 $0x7FFFFFFF, v23;
	v25 =	vand.u32 $0x7FFFFFFF, v25  }
0x81: {  	vm11 =	vle.f32 v34, v3;
	v53 =	vor.u32 $0x20, v50;
	v19 =	vld.idx.msk [tilespmem:v28+s12+$0x0], $0xffff;
	vm5 =	vlt.f32 v25, v18  }
0x82: {  	v23 =	vadd.s32 $0x1, v59;
	v46 =	vld.idx.msk [tilespmem:v22+s12+$0x0], $0xffff;
	v27 =	vsel vm5, v33, v27;
	v33 =	vsel vm6, $0x40, v1  }
0x83: {  	v52 =	vsel vm11, $0x40, v1;
	v43 =	vld.idx.msk [tilespmem:v32+s12+$0x0], $0xffff;
	vm8 =	vle.f32 v34, v9;
	v42 =	vor.u32 $0x20, v33  }
0x84: {  	v63 =	vld.idx.msk [tilespmem:v51+s12+$0x0], $0xffff;
	v34 =	vor.u32 $0x20, v52;
	v44 =	vsel vm8, $0x40, v1  }
0x85: {  	vm6 =	vle.f32 v62, v5;
	v62 =	vld.idx.msk [tilespmem:v58+s12+$0x0], $0xffff;
	v48 =	vor.u32 $0x20, v44  }
0x86: {  	vm14 =	vle.f32 v60, v12;
	vm15 =	vle.f32 v31, v11;
	v59 =	vld.idx.msk [tilespmem:v53+s12+$0x0], $0xffff;
	vm12 =	vle.f32 v19, v8  }
0x87: {  	vm4 =	vle.f32 v61, v10;
	v18 =	vmin.u32 v21, $0x7E;
	v49 =	vld.idx.msk [tilespmem:v23+s12+$0x0], $0xffff;
	v55 =	vsel vm12, v28, v30  }
0x88: {  	v25 =	vadd.s32 $0x1, v18;
	v28 =	vsel vm14, v37, v24;
	v57 =	vor.u32 $0x10, v55;
	v54 =	vld.idx.msk [tilespmem:v42+s12+$0x0], $0xffff  }
0x89: {  	v41 =	vsel vm6, v45, v41;
	v24 =	vsel vm4, v40, v26;
	v30 =	vmin.u32 v28, $0x7E;
	v60 =	vld.idx.msk [tilespmem:v34+s12+$0x0], $0xffff  }
0x8a: {  	vm8 =	vle.f32 v63, v6;
	v26 =	vmin.u32 v24, $0x7E;
	v31 =	vadd.s32 $0x1, v30;
	v37 =	vld.idx.msk [tilespmem:v48+s12+$0x0], $0xffff  }
0x8b: {  	v40 =	vld.idx.msk [tilespmem:v29+s12+$0x0], $0xffff;
	v47 =	vsel vm8, v51, v47;
	v26 =	vadd.s32 $0x1, v26;
	vm9 =	vle.f32 v59, v4  }
0x8c: {  	v45 =	vor.u32 $0x10, v41;
	v18 =	vld.idx.msk [tilespmem:v27+s13+$0x0], $0xffff;
	v51 =	vor.u32 $0x10, v47;
	v50 =	vsel vm9, v53, v50  }
0x8d: {  	s20 =	simm.s32 $0x40;
	v27 =	vsel vm15, v39, v38;
	v53 =	vor.u32 $0x10, v50;
	v61 =	vld.idx.msk [tilespmem:v57+s12+$0x0], $0xffff;
	vm5 =	vle.f32 v54, v7  }
0x8e: {  	v19 =	vld [tilespmem:s20+$0x30];
	v38 =	vmin.u32 v27, $0x7E;
	vm10 =	vle.f32 v60, v3;
	v33 =	vsel vm5, v42, v33  }
0x8f: {  	v35 =	vld.idx.msk [tilespmem:v31+s12+$0x0], $0xffff;
	v34 =	vsel vm10, v34, v52;
	vm7 =	vle.f32 v37, v9;
	v37 =	vor.u32 $0x10, v33  }
0x90: {  	v43 =	vsub.f32 v16, v43;
	v30 =	vadd.s32 $0x1, v38;
	v38 =	vld.idx.msk [tilespmem:v26+s12+$0x0], $0xffff;
	v54 =	vor.u32 $0x10, v34  }
0x91: {  	v16 =	vsub.f32 v16, v40;
	v60 =	vld.idx.msk [tilespmem:v51+s12+$0x0], $0xffff  }
0x92: {  	v40 =	vand.u32 $0x7FFFFFFF, v43;
	v44 =	vsel vm7, v48, v44;
	vm11 =	vle.f32 v61, v8;
	v61 =	vld.idx.msk [tilespmem:v53+s12+$0x0], $0xffff  }
0x93: {  	v16 =	vand.u32 $0x7FFFFFFF, v16;
	v48 =	vor.u32 $0x10, v44;
	v36 =	vsel vm11, v57, v55;
	v55 =	vld.idx.msk [tilespmem:v45+s12+$0x0], $0xffff  }
0x94: {  	vm9 =	vlt.f32 v40, v16;
	v52 =	vld.idx.msk [tilespmem:v37+s12+$0x0], $0xffff  }
0x95: {  	vm12 =	vle.f32 v62, v2;
	v29 =	vsel vm9, v32, v29;
	v43 =	vld.idx.msk [tilespmem:v54+s12+$0x0], $0xffff  }
0x96: {  	v56 =	vsel vm12, v58, v56;
	v42 =	vld.idx.msk [tilespmem:v25+s12+$0x0], $0xffff;
	v57 =	vor.u32 $0x8, v36  }
0x97: {  	v59 =	vor.u32 $0x10, v56;
	v39 =	vld.idx.msk [tilespmem:v30+s12+$0x0], $0xffff  }
0x98: {  	v46 =	vsub.f32 v15, v46;
	v58 =	vld.idx.msk [tilespmem:v48+s12+$0x0], $0xffff  }
0x99: {  	vm4 =	vle.f32 v60, v6;
	v60 =	vld.idx.msk [tilespmem:v21+s12+$0x0], $0xffff;
	vm5 =	vle.f32 v61, v4;
	vm14 =	vle.f32 v55, v5  }
0x9a: {  	v29 =	vld.idx.msk [tilespmem:v29+s13+$0x0], $0xffff;
	v50 =	vsel vm5, v53, v50;
	vm13 =	vle.f32 v52, v7;
	vm6 =	vle.f32 v43, v3  }
0x9b: {  	v33 =	vsel vm13, v37, v33;
	v37 =	vld.idx.msk [tilespmem:v57+s12+$0x0], $0xffff;
	v34 =	vsel vm6, v54, v34;
	v54 =	vor.u32 $0x8, v50  }
0x9c: {  	v47 =	vsel vm4, v51, v47;
	v41 =	vsel vm14, v45, v41;
	v52 =	vld.idx.msk [tilespmem:v59+s12+$0x0], $0xffff;
	v45 =	vor.u32 $0x8, v33  }
0x9d: {  	v49 =	vsub.f32 v14, v49;
	v53 =	vor.u32 $0x8, v47;
	vm15 =	vle.f32 v58, v9;
	v58 =	vld.idx.msk [tilespmem:v20+s12+$0x0], $0xffff  }
0x9e: {  	v55 =	vld.idx.msk [tilespmem:v17+s12+$0x0], $0xffff;
	v44 =	vsel vm15, v48, v44;
	v48 =	vor.u32 $0x8, v41  }
0x9f: {  	v46 =	vand.u32 $0x7FFFFFFF, v46;
	v49 =	vand.u32 $0x7FFFFFFF, v49;
	v43 =	vld.idx.msk [tilespmem:v28+s12+$0x0], $0xffff;
	v51 =	vor.u32 $0x8, v44  }
0xa0: {  	v35 =	vsub.f32 v12, v35;
	v38 =	vsub.f32 v10, v38;
	vm7 =	vle.f32 v37, v8;
	v32 =	vld.idx.msk [tilespmem:v54+s12+$0x0], $0xffff  }
0xa1: {  	v42 =	vsub.f32 v13, v42;
	v39 =	vsub.f32 v11, v39;
	v36 =	vsel vm7, v57, v36;
	v57 =	vld.idx.msk [tilespmem:v45+s12+$0x0], $0xffff  }
0xa2: {  	vm8 =	vle.f32 v52, v2;
	v52 =	vor.u32 $0x8, v34;
	v14 =	vsub.f32 v14, v58;
	v58 =	vld.idx.msk [tilespmem:v53+s12+$0x0], $0xffff  }
0xa3: {  	v35 =	vand.u32 $0x7FFFFFFF, v35;
	v15 =	vsub.f32 v15, v55;
	v56 =	vsel vm8, v59, v56;
	v59 =	vld.idx.msk [tilespmem:v48+s12+$0x0], $0xffff  }
0xa4: {  	v42 =	vand.u32 $0x7FFFFFFF, v42;
	v39 =	vand.u32 $0x7FFFFFFF, v39;
	v55 =	vadd.s32 $0x4, v36;
	v16 =	vld.idx.msk [tilespmem:v51+s12+$0x0], $0xffff  }
0xa5: {  	v15 =	vand.u32 $0x7FFFFFFF, v15;
	v37 =	vld.idx.msk [tilespmem:v27+s12+$0x0], $0xffff;
	v40 =	vor.u32 $0x8, v56;
	v14 =	vand.u32 $0x7FFFFFFF, v14  }
0xa6: {  	v13 =	vsub.f32 v13, v60;
	vm10 =	vlt.f32 v46, v15;
	v46 =	vld.idx.msk [tilespmem:v24+s12+$0x0], $0xffff;
	vm7 =	vlt.f32 v49, v14  }
0xa7: {  	v60 =	vld.idx.msk [tilespmem:v52+s12+$0x0], $0xffff;
	v14 =	vsel vm10, v22, v17;
	vm15 =	vle.f32 v32, v4;
	vm11 =	vle.f32 v57, v7  }
0xa8: {  	v32 =	vld [tilespmem:s20+$0xFFFFFFC0];
	vm14 =	vle.f32 v58, v6;
	v33 =	vsel vm11, v45, v33;
	vm12 =	vle.f32 v59, v5  }
0xa9: {  	v15 =	vld.idx.msk [tilespmem:v55+s12+$0x0], $0xffff;
	vm13 =	vle.f32 v16, v9;
	v16 =	vadd.s32 $0x4, v33;
	v41 =	vsel vm12, v48, v41  }
0xaa: {  	v13 =	vand.u32 $0x7FFFFFFF, v13;
	v63 =	vld.idx.msk [tilespmem:v40+s12+$0x0], $0xffff;
	v47 =	vsel vm14, v53, v47;
	v48 =	vadd.s32 $0x4, v41  }
0xab: {  	v50 =	vsel vm15, v54, v50;
	v54 =	vld [tilespmem:s20+$0xFFFFFFD0];
	v53 =	vadd.s32 $0x4, v47;
	v44 =	vsel vm13, v51, v44  }
0xac: {  	v12 =	vsub.f32 v12, v43;
	vm4 =	vle.f32 v60, v3;
	v14 =	vld.idx.msk [tilespmem:v14+s13+$0x0], $0xffff;
	v51 =	vadd.s32 $0x4, v44  }
0xad: {  	vm8 =	vlt.f32 v42, v13;
	v57 =	vadd.s32 $0x4, v50;
	v34 =	vsel vm4, v52, v34;
	v52 =	vld [tilespmem:s20+$0xFFFFFFE0]  }
0xae: {  	v11 =	vsub.f32 v11, v37;
	v17 =	vsel vm7, v23, v20;
	vm5 =	vle.f32 v15, v8;
	v15 =	vld.idx.msk [tilespmem:v16+s12+$0x0], $0xffff  }
0xaf: {  	v58 =	vadd.s32 $0x4, v34;
	vm6 =	vle.f32 v63, v2;
	v36 =	vsel vm5, v55, v36;
	v60 =	vld.idx.msk [tilespmem:v48+s12+$0x0], $0xffff  }
0xb0: {  	v12 =	vand.u32 $0x7FFFFFFF, v12;
	v40 =	vsel vm6, v40, v56;
	v13 =	vld.idx.msk [tilespmem:v53+s12+$0x0], $0xffff;
	v61 =	vadd.s32 $0x2, v36  }
0xb1: {  	vm9 =	vlt.f32 v35, v12;
	v11 =	vand.u32 $0x7FFFFFFF, v11;
	v63 =	vadd.s32 $0x4, v40;
	v62 =	vld.idx.msk [tilespmem:v51+s12+$0x0], $0xffff  }
0xb2: {  	v22 =	vsub.f32 v10, v46;
	v10 =	vsel vm8, v25, v21;
	vm10 =	vlt.f32 v39, v11;
	v20 =	vld.idx.msk [tilespmem:v57+s12+$0x0], $0xffff  }
0xb3: {  	v11 =	vsel vm9, v31, v28;
	v21 =	vsel vm10, v30, v27;
	v31 =	vld.idx.msk [tilespmem:v17+s13+$0x0], $0xffff;
	vm11 =	vle.f32 v15, v7  }
0xb4: {  	v12 =	vld.idx.msk [tilespmem:v58+s12+$0x0], $0xffff;
	v16 =	vsel vm11, v16, v33;
	vm12 =	vle.f32 v60, v5  }
0xb5: {  	vm14 =	vle.f32 v13, v6;
	v15 =	vld.idx.msk [tilespmem:v61+s12+$0x0], $0xffff;
	v25 =	vadd.s32 $0x2, v16;
	v27 =	vsel vm12, v48, v41  }
0xb6: {  	v23 =	vld.idx.msk [tilespmem:v63+s12+$0x0], $0xffff;
	vm13 =	vle.f32 v62, v9;
	v48 =	vsel vm14, v53, v47;
	v30 =	vadd.s32 $0x2, v27  }
0xb7: {  	v49 =	vld.idx.msk [tilespmem:v10+s13+$0x0], $0xffff;
	vm15 =	vle.f32 v20, v4;
	v28 =	vsel vm13, v51, v44;
	v20 =	vadd.s32 $0x2, v48  }
0xb8: {  	v38 =	vand.u32 $0x7FFFFFFF, v38;
	v10 =	vld.idx.msk [tilespmem:v21+s13+$0x0], $0xffff;
	v50 =	vsel vm15, v57, v50;
	v17 =	vadd.s32 $0x2, v28  }
0xb9: {  	v53 =	vadd.s32 $0x2, v50;
	vm4 =	vle.f32 v12, v3;
	v51 =	vld.idx.msk [tilespmem:v11+s13+$0x0], $0xffff;
	v12 =	vand.u32 $0x7FFFFFFF, v22  }
0xba: {  	v34 =	vsel vm4, v58, v34;
	vm7 =	vlt.f32 v38, v12;
	vm5 =	vle.f32 v15, v8;
	v11 =	vld.idx.msk [tilespmem:v25+s12+$0x0], $0xffff  }
0xbb: {  	v21 =	vadd.s32 $0x2, v34;
	vm6 =	vle.f32 v23, v2;
	v36 =	vsel vm5, v61, v36;
	v15 =	vld.idx.msk [tilespmem:v30+s12+$0x0], $0xffff  }
0xbc: {  	v22 =	vsel vm7, v26, v24;
	v40 =	vsel vm6, v63, v40;
	v55 =	vadd.s32 $0x1, v36;
	v24 =	vld.idx.msk [tilespmem:v20+s12+$0x0], $0xffff  }
0xbd: {  	v13 =	vsub.f32 v19, v18;
	v56 =	vadd.s32 $0x2, v40;
	v12 =	vld.idx.msk [tilespmem:v17+s12+$0x0], $0xffff  }
0xbe: {  	s22 =	simm.s32 $0x2040;
	v59 =	vadd.f32 v54, v14;
	v62 =	vld [tilespmem:s20+$0x0]  }
0xbf: {  	v18 =	vadd.f32 v19, v18;
	[tilespmem:s22+$0x30] =	vst v13;
	v58 =	vsub.f32 v54, v14;
	v26 =	vld.idx.msk [tilespmem:v53+s12+$0x0], $0xffff  }
0xc0: {  	v23 =	vsub.f32 v32, v29;
	v29 =	vadd.f32 v32, v29;
	v57 =	vld.idx.msk [tilespmem:v21+s12+$0x0], $0xffff;
	vm8 =	vle.f32 v11, v7  }
0xc1: {  	v60 =	vld.idx.msk [tilespmem:v55+s12+$0x0], $0xffff;
	v13 =	vsel vm8, v25, v16;
	vm9 =	vle.f32 v15, v5;
	vm11 =	vle.f32 v24, v6  }
0xc2: {  	s23 =	simm.s32 $0x3040;
	v25 =	vld.idx.msk [tilespmem:v56+s12+$0x0], $0xffff;
	vm10 =	vle.f32 v12, v9;
	v19 =	vadd.s32 $0x1, v13;
	v12 =	vsel vm9, v30, v27  }
0xc3: {  	[tilespmem:s23+$0x30] =	vst v18;
	v61 =	vsub.f32 v52, v31;
	v27 =	vld [tilespmem:s20+$0xFFFFFFF0];
	v14 =	vsel vm11, v20, v48;
	v15 =	vadd.s32 $0x1, v12  }
0xc4: {  	[tilespmem:s22+$0xFFFFFFC0] =	vst v23;
	v11 =	vld.idx.msk [tilespmem:v22+s13+$0x0], $0xffff;
	vm12 =	vle.f32 v26, v4;
	v23 =	vsel vm10, v17, v28;
	v20 =	vadd.s32 $0x1, v14  }
0xc5: {  	[tilespmem:s22+$0xFFFFFFD0] =	vst v58;
	v22 =	vld [tilespmem:s20+$0x10];
	v17 =	vsel vm12, v53, v50;
	vm13 =	vle.f32 v57, v3;
	v24 =	vadd.s32 $0x1, v23  }
0xc6: {  	[tilespmem:s23+$0xFFFFFFD0] =	vst v59;
	v16 =	vld [tilespmem:s20+$0x20];
	v28 =	vadd.f32 v52, v31;
	v26 =	vsel vm13, v21, v34;
	vm14 =	vle.f32 v60, v8  }
0xc7: {  	[tilespmem:s23+$0xFFFFFFC0] =	vst v29;
	v18 =	vadd.s32 $0x1, v17;
	v29 =	vadd.s32 $0x1, v26;
	v33 =	vld.idx.msk [tilespmem:v19+s12+$0x0], $0xffff;
	v30 =	vsel vm14, v55, v36  }
0xc8: {  	[tilespmem:s22+$0xFFFFFFE0] =	vst v61;
	vm15 =	vle.f32 v25, v2;
	v21 =	vsub.f32 v27, v49;
	v34 =	vld.idx.msk [tilespmem:v15+s12+$0x0], $0xffff;
	v63 =	vmin.u32 v30, $0x7E  }
0xc9: {  	[tilespmem:s23+$0xFFFFFFE0] =	vst v28;
	v25 =	vsel vm15, v56, v40;
	v31 =	vadd.f32 v27, v49;
	v35 =	vld.idx.msk [tilespmem:v20+s12+$0x0], $0xffff;
	v32 =	vadd.s32 $0x1, v63  }
0xca: {  	s24 =	simm.s32 $0x80;
	v27 =	vsub.f32 v62, v51;
	v28 =	vadd.s32 $0x1, v25;
	v36 =	vld.idx.msk [tilespmem:v24+s12+$0x0], $0xffff;
	[tilespmem:s22+$0xFFFFFFF0] =	vst v21;
	v21 =	vadd.f32 v62, v51  }
.LBB2_2:
0xcb: {  	v37 =	vld.idx.msk [tilespmem:v0+s12+$0x0], $0xffff;
	s21 =	sadd.s32 $0x80, s21;
	[tilespmem:s23+$0xFFFFFFF0] =	vst v31;
	v31 =	vsub.f32 v22, v10;
	v22 =	vadd.f32 v22, v10  }
0xcc: {  	s24 =	sadd.s32 $0x80, s24;
	v38 =	vld [tilespmem:s21+$0x30];
	[tilespmem:s22+$0x0] =	vst v27;
	v27 =	vsub.f32 v16, v11;
	v16 =	vadd.f32 v16, v11  }
0xcd: {  	p0 =	slt.u32 s24, $0xF80;
	vm0 =	vle.f32 v33, v7;
	v33 =	vld.idx.msk [tilespmem:v30+s12+$0x0], $0xffff;
	[tilespmem:s23+$0x0] =	vst v21  }
0xce: {  	v10 =	vsel vm0, v19, v13;
	vm0 =	vle.f32 v34, v5;
	v34 =	vld.idx.msk [tilespmem:v32+s12+$0x0], $0xffff;
	[tilespmem:s22+$0x10] =	vst v31  }
0xcf: {  	vm1 =	vle.f32 v36, v9;
	v13 =	vmin.u32 v10, $0x7E;
	v11 =	vsel vm0, v15, v12;
	v21 =	vld [tilespmem:s21+$0xFFFFFFD0];
	[tilespmem:s23+$0x10] =	vst v22  }
0xd0: {  	v19 =	vsel vm1, v24, v23;
	v15 =	vmin.u32 v11, $0x7E;
	vm0 =	vle.f32 v35, v6;
	v22 =	vld [tilespmem:s21+$0xFFFFFFE0];
	[tilespmem:s22+$0x20] =	vst v27  }
0xd1: {  	v27 =	vmin.u32 v19, $0x7E;
	v12 =	vsel vm0, v20, v14;
	v23 =	vld [tilespmem:s21+$0xFFFFFFF0];
	vm1 =	vle.f32 v37, v38;
	[tilespmem:s23+$0x20] =	vst v16  }
0xd2: {  	v27 =	vadd.s32 $0x1, v27;
	v36 =	vmin.u32 v12, $0x7E;
	v24 =	vld [tilespmem:s21+$0x0];
	v35 =	vsel vm1, $0x40, v1  }
0xd3: {  	v13 =	vadd.s32 $0x1, v13;
	v14 =	vadd.s32 $0x1, v15;
	v20 =	vld [tilespmem:s21+$0x10];
	v39 =	vor.u32 $0x20, v35  }
0xd4: {  	v33 =	vsub.f32 v8, v33;
	v34 =	vsub.f32 v8, v34;
	v8 =	vmovc v38;
	vm0 =	vle.f32 v37, v21;
	v16 =	vld [tilespmem:s21+$0x20]  }
0xd5: {  	v15 =	vadd.s32 $0x1, v36;
	v31 =	vld [tilespmem:s21+$0xFFFFFFC0];
	v38 =	vsel vm0, $0x40, v1;
	vm0 =	vle.f32 v37, v22  }
0xd6: {  	v33 =	vand.u32 $0x7FFFFFFF, v33;
	v34 =	vand.u32 $0x7FFFFFFF, v34;
	vm1 =	vle.f32 v37, v23;
	v36 =	vld.idx.msk [tilespmem:v18+s12+$0x0], $0xffff  }
0xd7: {  	v40 =	vsel vm0, $0x40, v1;
	vm2 =	vlt.f32 v34, v33;
	vm0 =	vle.f32 v37, v24;
	v41 =	vld.idx.msk [tilespmem:v29+s12+$0x0], $0xffff  }
0xd8: {  	v33 =	vsel vm1, $0x40, v1;
	v30 =	vsel vm2, v32, v30;
	vm1 =	vle.f32 v37, v20;
	v34 =	vld.idx.msk [tilespmem:v39+s12+$0x0], $0xffff  }
0xd9: {  	v32 =	vsel vm0, $0x40, v1;
	v42 =	vsel vm1, $0x40, v1;
	vm0 =	vle.f32 v37, v16;
	v43 =	vld.idx.msk [tilespmem:v28+s12+$0x0], $0xffff  }
0xda: {  	vm1 =	vle.f32 v37, v31;
	v37 =	vor.u32 $0x20, v38;
	v44 =	vsel vm0, $0x40, v1;
	v45 =	vld.idx.msk [tilespmem:v27+s12+$0x0], $0xffff  }
0xdb: {  	v47 =	vor.u32 $0x20, v40;
	v48 =	vor.u32 $0x20, v33;
	v46 =	vsel vm1, $0x40, v1;
	v49 =	vld.idx.msk [tilespmem:v13+s12+$0x0], $0xffff  }
0xdc: {  	v51 =	vor.u32 $0x20, v32;
	v52 =	vor.u32 $0x20, v42;
	v50 =	vor.u32 $0x20, v46;
	v53 =	vld.idx.msk [tilespmem:v14+s12+$0x0], $0xffff  }
0xdd: {  	s20 =	sadd.s32 $0x80, s20;
	v54 =	vor.u32 $0x20, v44;
	vm0 =	vle.f32 v36, v4;
	vm1 =	vle.f32 v41, v3;
	v30 =	vld.idx.msk [tilespmem:v30+s13+$0x0], $0xffff  }
0xde: {  	v18 =	vsel vm0, v18, v17;
	vm2 =	vle.f32 v34, v8;
	v17 =	vsel vm1, v29, v26;
	v34 =	vld [tilespmem:s20+$0x30]  }
0xdf: {  	v26 =	vmin.u32 v18, $0x7E;
	v35 =	vsel vm2, v39, v35;
	vm0 =	vle.f32 v43, v2;
	v36 =	vld.idx.msk [tilespmem:v37+s12+$0x0], $0xffff  }
0xe0: {  	v29 =	vmin.u32 v17, $0x7E;
	v41 =	vor.u32 $0x10, v35;
	v25 =	vsel vm0, v28, v25;
	v39 =	vld.idx.msk [tilespmem:v47+s12+$0x0], $0xffff  }
0xe1: {  	v28 =	vadd.s32 $0x1, v26;
	v26 =	vadd.s32 $0x1, v29;
	v29 =	vmin.u32 v25, $0x7E;
	v43 =	vld.idx.msk [tilespmem:v50+s12+$0x0], $0xffff  }
0xe2: {  	v45 =	vsub.f32 v9, v45;
	v49 =	vsub.f32 v7, v49;
	v29 =	vadd.s32 $0x1, v29;
	v55 =	vld.idx.msk [tilespmem:v48+s12+$0x0], $0xffff  }
0xe3: {  	v53 =	vsub.f32 v5, v53;
	v56 =	vld.idx.msk [tilespmem:v51+s12+$0x0], $0xffff;
	v57 =	vsub.f32 v34, v30  }
0xe4: {  	s22 =	sadd.s32 $0x80, s22;
	v45 =	vand.u32 $0x7FFFFFFF, v45;
	v49 =	vand.u32 $0x7FFFFFFF, v49;
	v30 =	vadd.f32 v34, v30;
	v58 =	vld.idx.msk [tilespmem:v52+s12+$0x0], $0xffff  }
0xe5: {  	s23 =	sadd.s32 $0x80, s23;
	vm0 =	vle.f32 v36, v21;
	v36 =	vand.u32 $0x7FFFFFFF, v53;
	v34 =	vld.idx.msk [tilespmem:v41+s12+$0x0], $0xffff;
	[tilespmem:s22+$0x30] =	vst v57  }
0xe6: {  	v37 =	vsel vm0, v37, v38;
	vm0 =	vle.f32 v39, v22;
	v38 =	vld.idx.msk [tilespmem:v54+s12+$0x0], $0xffff;
	[tilespmem:s23+$0x30] =	vst v30  }
0xe7: {  	vm1 =	vle.f32 v43, v31;
	v30 =	vor.u32 $0x10, v37;
	v39 =	vsel vm0, v47, v40;
	v40 =	vld.idx.msk [tilespmem:v15+s12+$0x0], $0xffff  }
0xe8: {  	v43 =	vsel vm1, v50, v46;
	v46 =	vor.u32 $0x10, v39;
	vm0 =	vle.f32 v55, v23;
	v47 =	vld.idx.msk [tilespmem:v28+s12+$0x0], $0xffff  }
0xe9: {  	v50 =	vor.u32 $0x10, v43;
	v33 =	vsel vm0, v48, v33;
	vm0 =	vle.f32 v56, v24;
	v48 =	vld.idx.msk [tilespmem:v26+s12+$0x0], $0xffff  }
0xea: {  	v53 =	vor.u32 $0x10, v33;
	v32 =	vsel vm0, v51, v32;
	vm0 =	vle.f32 v58, v20;
	v51 =	vld.idx.msk [tilespmem:v29+s12+$0x0], $0xffff  }
0xeb: {  	v55 =	vor.u32 $0x10, v32;
	v42 =	vsel vm0, v52, v42;
	vm0 =	vle.f32 v34, v8;
	v34 =	vld.idx.msk [tilespmem:v19+s12+$0x0], $0xffff  }
0xec: {  	v56 =	vor.u32 $0x10, v42;
	vm1 =	vle.f32 v38, v16;
	v35 =	vsel vm0, v41, v35;
	v52 =	vld.idx.msk [tilespmem:v30+s12+$0x0], $0xffff  }
0xed: {  	v41 =	vsel vm1, v54, v44;
	v44 =	vor.u32 $0x8, v35;
	v40 =	vsub.f32 v6, v40;
	v38 =	vld.idx.msk [tilespmem:v46+s12+$0x0], $0xffff  }
0xee: {  	v57 =	vor.u32 $0x10, v41;
	v47 =	vsub.f32 v4, v47;
	v54 =	vld.idx.msk [tilespmem:v50+s12+$0x0], $0xffff  }
0xef: {  	v40 =	vand.u32 $0x7FFFFFFF, v40;
	v48 =	vsub.f32 v3, v48;
	v58 =	vld.idx.msk [tilespmem:v53+s12+$0x0], $0xffff  }
0xf0: {  	v47 =	vand.u32 $0x7FFFFFFF, v47;
	v51 =	vsub.f32 v2, v51;
	v59 =	vld.idx.msk [tilespmem:v55+s12+$0x0], $0xffff  }
0xf1: {  	v34 =	vsub.f32 v9, v34;
	v48 =	vand.u32 $0x7FFFFFFF, v48;
	v9 =	vmov v31;
	v60 =	vld.idx.msk [tilespmem:v56+s12+$0x0], $0xffff  }
0xf2: {  	vm0 =	vle.f32 v52, v21;
	v51 =	vand.u32 $0x7FFFFFFF, v51;
	v31 =	vld.idx.msk [tilespmem:v44+s12+$0x0], $0xffff  }
0xf3: {  	v30 =	vsel vm0, v30, v37;
	vm0 =	vle.f32 v38, v22;
	v34 =	vand.u32 $0x7FFFFFFF, v34;
	v37 =	vld.idx.msk [tilespmem:v57+s12+$0x0], $0xffff  }
0xf4: {  	vm1 =	vle.f32 v54, v9;
	v38 =	vor.u32 $0x8, v30;
	v39 =	vsel vm0, v46, v39;
	v46 =	vld.idx.msk [tilespmem:v10+s12+$0x0], $0xffff  }
0xf5: {  	v43 =	vsel vm1, v50, v43;
	v50 =	vor.u32 $0x8, v39;
	vm0 =	vle.f32 v58, v23;
	v52 =	vld.idx.msk [tilespmem:v11+s12+$0x0], $0xffff  }
0xf6: {  	v54 =	vor.u32 $0x8, v43;
	v33 =	vsel vm0, v53, v33;
	vm0 =	vle.f32 v59, v24;
	v53 =	vld.idx.msk [tilespmem:v12+s12+$0x0], $0xffff  }
0xf7: {  	v58 =	vor.u32 $0x8, v33;
	v32 =	vsel vm0, v55, v32;
	vm0 =	vle.f32 v60, v20;
	v55 =	vld.idx.msk [tilespmem:v18+s12+$0x0], $0xffff  }
0xf8: {  	v59 =	vor.u32 $0x8, v32;
	v42 =	vsel vm0, v56, v42;
	vm0 =	vle.f32 v31, v8;
	v31 =	vld.idx.msk [tilespmem:v17+s12+$0x0], $0xffff  }
0xf9: {  	v60 =	vor.u32 $0x8, v42;
	vm1 =	vle.f32 v37, v16;
	v35 =	vsel vm0, v44, v35;
	v56 =	vld.idx.msk [tilespmem:v38+s12+$0x0], $0xffff  }
0xfa: {  	v41 =	vsel vm1, v57, v41;
	v44 =	vadd.s32 $0x4, v35;
	v46 =	vsub.f32 v7, v46;
	v7 =	vmovc v21;
	v37 =	vld.idx.msk [tilespmem:v50+s12+$0x0], $0xffff  }
0xfb: {  	vm0 =	vlt.f32 v45, v34;
	v57 =	vor.u32 $0x8, v41;
	v34 =	vsub.f32 v5, v52;
	v5 =	vmovc v22;
	v21 =	vld.idx.msk [tilespmem:v54+s12+$0x0], $0xffff  }
0xfc: {  	v19 =	vsel vm0, v27, v19;
	v27 =	vand.u32 $0x7FFFFFFF, v46;
	v45 =	vsub.f32 v6, v53;
	v6 =	vmovc v23;
	v22 =	vld.idx.msk [tilespmem:v58+s12+$0x0], $0xffff  }
0xfd: {  	vm0 =	vlt.f32 v49, v27;
	v27 =	vand.u32 $0x7FFFFFFF, v34;
	v34 =	vsub.f32 v4, v55;
	v4 =	vmovc v24;
	v23 =	vld.idx.msk [tilespmem:v59+s12+$0x0], $0xffff  }
0xfe: {  	vm1 =	vlt.f32 v36, v27;
	v27 =	vand.u32 $0x7FFFFFFF, v45;
	v31 =	vsub.f32 v3, v31;
	v3 =	vmovc v20;
	v24 =	vld.idx.msk [tilespmem:v60+s12+$0x0], $0xffff  }
0xff: {  	vm3 =	vle.f32 v56, v7;
	vm2 =	vlt.f32 v40, v27;
	v27 =	vand.u32 $0x7FFFFFFF, v34;
	v20 =	vld.idx.msk [tilespmem:v44+s12+$0x0], $0xffff  }
0x100: {  	v30 =	vsel vm3, v38, v30;
	vm3 =	vle.f32 v37, v5;
	v31 =	vand.u32 $0x7FFFFFFF, v31;
	v34 =	vld.idx.msk [tilespmem:v57+s12+$0x0], $0xffff  }
0x101: {  	vm4 =	vle.f32 v21, v9;
	v21 =	vadd.s32 $0x4, v30;
	v36 =	vsel vm3, v50, v39;
	v37 =	vld.idx.msk [tilespmem:v25+s12+$0x0], $0xffff  }
0x102: {  	v38 =	vsel vm4, v54, v43;
	v39 =	vadd.s32 $0x4, v36;
	vm3 =	vle.f32 v22, v6;
	v19 =	vld.idx.msk [tilespmem:v19+s13+$0x0], $0xffff  }
0x103: {  	v22 =	vadd.s32 $0x4, v38;
	v33 =	vsel vm3, v58, v33;
	vm3 =	vle.f32 v23, v4;
	v23 =	vld [tilespmem:s20+$0xFFFFFFC0]  }
0x104: {  	v40 =	vadd.s32 $0x4, v33;
	v32 =	vsel vm3, v59, v32;
	vm3 =	vle.f32 v24, v3;
	v24 =	vld [tilespmem:s20+$0xFFFFFFD0]  }
0x105: {  	v43 =	vadd.s32 $0x4, v32;
	v42 =	vsel vm3, v60, v42;
	vm3 =	vle.f32 v20, v8;
	v20 =	vld [tilespmem:s20+$0xFFFFFFE0]  }
0x106: {  	v46 =	vadd.s32 $0x4, v42;
	vm4 =	vle.f32 v34, v16;
	v34 =	vsel vm3, v44, v35;
	v45 =	vld.idx.msk [tilespmem:v21+s12+$0x0], $0xffff  }
0x107: {  	v41 =	vsel vm4, v57, v41;
	v44 =	vadd.s32 $0x2, v34;
	v37 =	vsub.f32 v2, v37;
	v2 =	vmovc v16;
	v35 =	vld.idx.msk [tilespmem:v39+s12+$0x0], $0xffff  }
0x108: {  	vm3 =	vlt.f32 v47, v27;
	vm4 =	vlt.f32 v48, v31;
	v49 =	vadd.s32 $0x4, v41;
	v16 =	vld.idx.msk [tilespmem:v22+s12+$0x0], $0xffff  }
0x109: {  	v10 =	vsel vm0, v13, v10;
	v11 =	vsel vm1, v14, v11;
	v13 =	vand.u32 $0x7FFFFFFF, v37;
	v27 =	vld.idx.msk [tilespmem:v40+s12+$0x0], $0xffff  }
0x10a: {  	v12 =	vsel vm2, v15, v12;
	v15 =	vsel vm3, v28, v18;
	vm0 =	vlt.f32 v51, v13;
	v14 =	vld.idx.msk [tilespmem:v43+s12+$0x0], $0xffff  }
0x10b: {  	v17 =	vsel vm4, v26, v17;
	v18 =	vsub.f32 v23, v19;
	v25 =	vsel vm0, v29, v25;
	v13 =	vld.idx.msk [tilespmem:v46+s12+$0x0], $0xffff  }
0x10c: {  	v19 =	vadd.f32 v23, v19;
	vm0 =	vle.f32 v45, v7;
	v26 =	vld.idx.msk [tilespmem:v44+s12+$0x0], $0xffff  }
0x10d: {  	v21 =	vsel vm0, v21, v30;
	vm0 =	vle.f32 v35, v5;
	v23 =	vld.idx.msk [tilespmem:v49+s12+$0x0], $0xffff;
	[tilespmem:s22+$0xFFFFFFC0] =	vst v18  }
0x10e: {  	vm1 =	vle.f32 v16, v9;
	v16 =	vadd.s32 $0x2, v21;
	v18 =	vsel vm0, v39, v36;
	[tilespmem:s23+$0xFFFFFFC0] =	vst v19;
	v19 =	vld.idx.msk [tilespmem:v10+s13+$0x0], $0xffff  }
0x10f: {  	v22 =	vsel vm1, v22, v38;
	v28 =	vadd.s32 $0x2, v18;
	vm0 =	vle.f32 v27, v6;
	v11 =	vld.idx.msk [tilespmem:v11+s13+$0x0], $0xffff  }
0x110: {  	v27 =	vadd.s32 $0x2, v22;
	v29 =	vsel vm0, v40, v33;
	vm0 =	vle.f32 v14, v4;
	v31 =	vld.idx.msk [tilespmem:v12+s13+$0x0], $0xffff  }
0x111: {  	v14 =	vadd.s32 $0x2, v29;
	v30 =	vsel vm0, v43, v32;
	vm0 =	vle.f32 v13, v3;
	v37 =	vld.idx.msk [tilespmem:v15+s13+$0x0], $0xffff  }
0x112: {  	v32 =	vadd.s32 $0x2, v30;
	v33 =	vsel vm0, v46, v42;
	vm0 =	vle.f32 v26, v8;
	v10 =	vld.idx.msk [tilespmem:v17+s13+$0x0], $0xffff  }
0x113: {  	v26 =	vadd.s32 $0x2, v33;
	vm1 =	vle.f32 v23, v2;
	v34 =	vsel vm0, v44, v34;
	v12 =	vld.idx.msk [tilespmem:v16+s12+$0x0], $0xffff  }
0x114: {  	v35 =	vsel vm1, v49, v41;
	v36 =	vadd.s32 $0x1, v34;
	v13 =	vsub.f32 v24, v19;
	v15 =	vld.idx.msk [tilespmem:v28+s12+$0x0], $0xffff  }
0x115: {  	v19 =	vadd.f32 v24, v19;
	v38 =	vadd.s32 $0x2, v35;
	v23 =	vsub.f32 v20, v11;
	v17 =	vld.idx.msk [tilespmem:v27+s12+$0x0], $0xffff  }
0x116: {  	v11 =	vadd.f32 v20, v11;
	v24 =	vld.idx.msk [tilespmem:v14+s12+$0x0], $0xffff;
	[tilespmem:s22+$0xFFFFFFD0] =	vst v13  }
0x117: {  	v20 =	vld.idx.msk [tilespmem:v32+s12+$0x0], $0xffff;
	[tilespmem:s23+$0xFFFFFFD0] =	vst v19  }
0x118: {  	v39 =	vld.idx.msk [tilespmem:v26+s12+$0x0], $0xffff;
	[tilespmem:s22+$0xFFFFFFE0] =	vst v23  }
0x119: {  	vm0 =	vle.f32 v12, v7;
	v40 =	vld.idx.msk [tilespmem:v36+s12+$0x0], $0xffff;
	[tilespmem:s23+$0xFFFFFFE0] =	vst v11  }
0x11a: {  	v13 =	vsel vm0, v16, v21;
	vm0 =	vle.f32 v15, v5;
	v21 =	vld.idx.msk [tilespmem:v38+s12+$0x0], $0xffff  }
0x11b: {  	vm1 =	vle.f32 v17, v9;
	v19 =	vadd.s32 $0x1, v13;
	v12 =	vsel vm0, v28, v18;
	v11 =	vld.idx.msk [tilespmem:v25+s13+$0x0], $0xffff  }
0x11c: {  	v23 =	vsel vm1, v27, v22;
	v15 =	vadd.s32 $0x1, v12;
	vm0 =	vle.f32 v24, v6;
	v27 =	vld [tilespmem:s20+$0xFFFFFFF0]  }
0x11d: {  	v24 =	vadd.s32 $0x1, v23;
	v14 =	vsel vm0, v14, v29;
	vm0 =	vle.f32 v20, v4;
	v41 =	vld [tilespmem:s20+$0x0]  }
0x11e: {  	v20 =	vadd.s32 $0x1, v14;
	v17 =	vsel vm0, v32, v30;
	vm0 =	vle.f32 v39, v3;
	v22 =	vld [tilespmem:s20+$0x10]  }
.Ltmp0:
0x11f: {  	v18 =	vadd.s32 $0x1, v17;
	v26 =	vsel vm0, v26, v33;
	vm0 =	vle.f32 v40, v8;
	v16 =	vld [tilespmem:s20+$0x20];
	(pc) =	sbr.rel @p0 .LBB2_2-.Ltmp0, $4  }
0x120: {  	v29 =	vadd.s32 $0x1, v26;
	vm1 =	vle.f32 v21, v2;
	v30 =	vsel vm0, v36, v34;
	v33 =	vld.idx.msk [tilespmem:v19+s12+$0x0], $0xffff  }
0x121: {  	v25 =	vsel vm1, v38, v35;
	v21 =	vmin.u32 v30, $0x7E;
	v34 =	vld.idx.msk [tilespmem:v15+s12+$0x0], $0xffff;
	v38 =	vsub.f32 v27, v31  }
0x122: {  	v28 =	vadd.s32 $0x1, v25;
	v32 =	vadd.s32 $0x1, v21;
	v31 =	vadd.f32 v27, v31;
	v36 =	vld.idx.msk [tilespmem:v24+s12+$0x0], $0xffff  }
0x123: {  	v27 =	vsub.f32 v41, v37;
	v21 =	vadd.f32 v41, v37;
	v35 =	vld.idx.msk [tilespmem:v20+s12+$0x0], $0xffff;
	[tilespmem:s22+$0xFFFFFFF0] =	vst v38  }
0x124: {  	_ =	sdelay $0x3  }
0x125: {  	v48 =	vld.idx.msk [tilespmem:v30+s12+$0x0], $0xffff  }
0x126: {  	v49 =	vld.idx.msk [tilespmem:v32+s12+$0x0], $0xffff  }
0x127: {  	v51 =	vld.idx.msk [tilespmem:v18+s12+$0x0], $0xffff;
	vm15 =	vle.f32 v33, v7  }
0x128: {  	v53 =	vld.idx.msk [tilespmem:v29+s12+$0x0], $0xffff;
	v13 =	vsel vm15, v19, v13;
	vm4 =	vle.f32 v34, v5  }
0x129: {  	v37 =	vld.idx.msk [tilespmem:v28+s12+$0x0], $0xffff;
	vm0 =	vle.f32 v36, v9;
	v12 =	vsel vm4, v15, v12  }
0x12a: {  	v52 =	vmin.u32 v13, $0x7E;
	v23 =	vsel vm0, v24, v23;
	vm5 =	vle.f32 v35, v6  }
0x12b: {  	v54 =	vmin.u32 v12, $0x7E;
	v14 =	vsel vm5, v20, v14;
	v20 =	vadd.s32 $0x1, v52  }
0x12c: {  	v50 =	vmin.u32 v23, $0x7E;
	v35 =	vadd.s32 $0x1, v54;
	v36 =	vsub.f32 v8, v48  }
0x12d: {  	vm6 =	vle.f32 v51, v4;
	v56 =	vsub.f32 v8, v49;
	v19 =	vadd.s32 $0x1, v50;
	v43 =	vld.idx.msk [tilespmem:v13+s12+$0x0], $0xffff  }
0x12e: {  	vm1 =	vle.f32 v53, v3;
	vm8 =	vle.f32 v37, v2;
	v55 =	vmin.u32 v14, $0x7E;
	v46 =	vld.idx.msk [tilespmem:v12+s12+$0x0], $0xffff  }
0x12f: {  	v15 =	vsel vm6, v18, v17;
	v26 =	vsel vm1, v29, v26;
	v25 =	vsel vm8, v28, v25;
	v57 =	vld.idx.msk [tilespmem:v23+s12+$0x0], $0xffff  }
0x130: {  	v34 =	vadd.s32 $0x1, v55;
	v58 =	vand.u32 $0x7FFFFFFF, v36;
	v60 =	vmin.u32 v15, $0x7E;
	v59 =	vld.idx.msk [tilespmem:v20+s12+$0x0], $0xffff  }
0x131: {  	v8 =	vand.u32 $0x7FFFFFFF, v56;
	v62 =	vmin.u32 v26, $0x7E;
	v29 =	vadd.s32 $0x1, v60;
	v61 =	vld.idx.msk [tilespmem:v35+s12+$0x0], $0xffff  }
0x132: {  	v49 =	vmin.u32 v25, $0x7E;
	vm7 =	vlt.f32 v8, v58;
	v8 =	vadd.s32 $0x1, v62;
	v38 =	vld.idx.msk [tilespmem:v19+s12+$0x0], $0xffff  }
0x133: {  	v47 =	vadd.f32 v22, v10;
	v48 =	vsub.f32 v16, v11;
	v37 =	vadd.s32 $0x1, v49;
	v50 =	vld.idx.msk [tilespmem:v14+s12+$0x0], $0xffff  }
0x134: {  	v54 =	vadd.f32 v16, v11;
	v36 =	vsub.f32 v22, v10;
	v60 =	vld.idx.msk [tilespmem:v26+s12+$0x0], $0xffff  }
0x135: {  	v42 =	vsel vm7, v32, v30;
	v63 =	vld.idx.msk [tilespmem:v34+s12+$0x0], $0xffff;
	v56 =	vsub.f32 v7, v43;
	v51 =	vsub.f32 v7, v59  }
0x136: {  	v39 =	vld.idx.msk [tilespmem:v29+s12+$0x0], $0xffff;
	v52 =	vsub.f32 v5, v61;
	v59 =	vsub.f32 v5, v46  }
0x137: {  	v53 =	vld.idx.msk [tilespmem:v8+s12+$0x0], $0xffff;
	v45 =	vsub.f32 v9, v57;
	v44 =	vsub.f32 v9, v38  }
0x138: {  	v62 =	vld.idx.msk [tilespmem:v37+s12+$0x0], $0xffff;
	v61 =	vsub.f32 v6, v50;
	v24 =	vand.u32 $0x7FFFFFFF, v52;
	v5 =	vand.u32 $0x7FFFFFFF, v59  }
0x139: {  	v57 =	vld.idx.msk [tilespmem:v15+s12+$0x0], $0xffff;
	v9 =	vand.u32 $0x7FFFFFFF, v45;
	v28 =	vand.u32 $0x7FFFFFFF, v44;
	vm11 =	vlt.f32 v24, v5  }
0x13a: {  	s20 =	sadd.s32 $0x80, s20;
	v58 =	vld.idx.msk [tilespmem:v42+s13+$0x0], $0xffff;
	v7 =	vand.u32 $0x7FFFFFFF, v56;
	vm9 =	vlt.f32 v28, v9;
	v12 =	vsel vm11, v35, v12  }
0x13b: {  	v50 =	vld [tilespmem:s20+$0xFFFFFFE0];
	v18 =	vsub.f32 v6, v63;
	v41 =	vand.u32 $0x7FFFFFFF, v61;
	v55 =	vsel vm9, v19, v23  }
0x13c: {  	v38 =	vld.idx.msk [tilespmem:v25+s12+$0x0], $0xffff;
	v63 =	vsub.f32 v4, v39;
	v33 =	vsub.f32 v3, v53;
	v9 =	vand.u32 $0x7FFFFFFF, v51  }
0x13d: {  	[tilespmem:s23+$0xFFFFFFF0] =	vst v31;
	v39 =	vld [tilespmem:s20+$0x30];
	v3 =	vsub.f32 v3, v60;
	v18 =	vand.u32 $0x7FFFFFFF, v18;
	vm10 =	vlt.f32 v9, v7  }
0x13e: {  	[tilespmem:s22+$0x0] =	vst v27;
	v44 =	vld [tilespmem:s20+$0xFFFFFFC0];
	v40 =	vsub.f32 v4, v57;
	vm12 =	vlt.f32 v18, v41;
	v13 =	vsel vm10, v20, v13  }
0x13f: {  	[tilespmem:s23+$0x0] =	vst v21;
	v45 =	vsub.f32 v2, v62;
	v42 =	vand.u32 $0x7FFFFFFF, v63;
	v14 =	vsel vm12, v34, v14;
	v51 =	vld.idx.msk [tilespmem:v12+s13+$0x0], $0xffff  }
0x140: {  	[tilespmem:s22+$0x20] =	vst v48;
	v7 =	vand.u32 $0x7FFFFFFF, v33;
	v3 =	vand.u32 $0x7FFFFFFF, v3;
	v4 =	vand.u32 $0x7FFFFFFF, v40;
	v43 =	vld.idx.msk [tilespmem:v55+s13+$0x0], $0xffff  }
0x141: {  	[tilespmem:s23+$0x20] =	vst v54;
	v46 =	vld [tilespmem:s20+$0xFFFFFFD0];
	v2 =	vsub.f32 v2, v38;
	vm14 =	vlt.f32 v7, v3;
	v3 =	vand.u32 $0x7FFFFFFF, v45  }
0x142: {  	[tilespmem:s22+$0x10] =	vst v36;
	v53 =	vld [tilespmem:s20+$0xFFFFFFF0];
	vm13 =	vlt.f32 v42, v4;
	v7 =	vsel vm14, v8, v26;
	v48 =	vsub.f32 v39, v58  }
0x143: {  	s21 =	sadd.s32 $0x80, s22;
	[tilespmem:s23+$0x10] =	vst v47;
	v4 =	vsel vm13, v29, v15;
	v49 =	vadd.f32 v39, v58;
	v2 =	vand.u32 $0x7FFFFFFF, v2;
	v47 =	vld.idx.msk [tilespmem:v13+s13+$0x0], $0xffff  }
0x144: {  	s31 =	sadd.s32 $0x80, s23;
	vm15 =	vlt.f32 v3, v2;
	[tilespmem:s21+$0x30] =	vst v48;
	v3 =	vld.idx.msk [tilespmem:v14+s13+$0x0], $0xffff;
	v57 =	vsub.f32 v50, v51  }
0x145: {  	v56 =	vld [tilespmem:s20+$0x0];
	[tilespmem:s31+$0x30] =	vst v49;
	v2 =	vsub.f32 v44, v43  }
0x146: {  	v59 =	vld [tilespmem:s20+$0x10];
	v52 =	vsel vm15, v37, v25;
	v58 =	vadd.f32 v50, v51;
	[tilespmem:s21+$0xFFFFFFE0] =	vst v57  }
0x147: {  	v7 =	vld.idx.msk [tilespmem:v7+s13+$0x0], $0xffff;
	v5 =	vadd.f32 v44, v43;
	[tilespmem:s21+$0xFFFFFFC0] =	vst v2  }
0x148: {  	v54 =	vsub.f32 v46, v47;
	v2 =	vld.idx.msk [tilespmem:v4+s13+$0x0], $0xffff;
	[tilespmem:s31+$0xFFFFFFE0] =	vst v58  }
0x149: {  	v61 =	vsub.f32 v53, v3;
	[tilespmem:s31+$0xFFFFFFC0] =	vst v5  }
0x14a: {  	v62 =	vld [tilespmem:s20+$0x20];
	v3 =	vadd.f32 v53, v3;
	[tilespmem:s21+$0xFFFFFFD0] =	vst v54  }
0x14b: {  	v60 =	vld.idx.msk [tilespmem:v52+s13+$0x0], $0xffff;
	v55 =	vadd.f32 v46, v47;
	[tilespmem:s21+$0xFFFFFFF0] =	vst v61  }
0x14c: {  	[tilespmem:s31+$0xFFFFFFF0] =	vst v3;
	v3 =	vsub.f32 v59, v7  }
0x14d: {  	[tilespmem:s31+$0xFFFFFFD0] =	vst v55;
	v63 =	vsub.f32 v56, v2  }
0x14e: {  	[tilespmem:s21+$0x10] =	vst v3;
	v2 =	vadd.f32 v56, v2  }
0x14f: {  	v5 =	vadd.f32 v59, v7;
	[tilespmem:s21+$0x0] =	vst v63  }
0x150: {  	[tilespmem:s31+$0x0] =	vst v2;
	v2 =	vsub.f32 v62, v60  }
0x151: {  	v3 =	vadd.f32 v62, v60;
	[tilespmem:s31+$0x10] =	vst v5  }
0x152: {  	[tilespmem:s21+$0x20] =	vst v2  }
0x153: {  	[tilespmem:s31+$0x20] =	vst v3  }
0x154: {  	[hbm4b:s7+s4] =	stream.linear.scatter [tilespmem:s16], [sflag:$0x2], $0x1000, $0x38;
	[tilespmem:$0x4100] =	vst v63  }
0x155: {  	_ =	swait.ge [sflag:s17], $0x1000  }
0x156: {  	[sflag:s17] =	ssyncset.done $0x0  }
0x157: {  	[sflag:s17] =	ssyncadd.s32 $0xFFFFF000  }
0x158: {  	[hbm4b:s8+s4] =	stream.linear.scatter [tilespmem:s18], [sflag:$0x2], $0x1000, $0x38;
	[tilespmem:$0x4100] =	vst v63  }
0x159: {  	_ =	swait.ge [sflag:s17], $0x1000  }
0x15a: {  	[sflag:s17] =	ssyncset.done $0x0  }
0x15b: {  	[sflag:s17] =	ssyncadd.s32 $0xFFFFF000  }
0x15c: {  	[hbm4b:s9+s4] =	stream.linear.scatter [tilespmem:s4], [sflag:$0x2], $0x1000, $0x38;
	[tilespmem:$0x4100] =	vst v63  }
0x15d: {  	s19 =	sadd.s32 $0x1, s19;
	_ =	swait.ge [sflag:s17], $0x1000  }
0x15e: {  	p0 =	sne.s32 s19, s11;
	[sflag:s17] =	ssyncset.done $0x0  }
.Ltmp1:
0x15f: {  	[sflag:s17] =	ssyncadd.s32 $0xFFFFF000;
	(pc) =	sbr.rel @p0 .LBB2_1-.Ltmp1, $4  }
0x160: {  	[hbm4b:s10+s4] =	stream.linear.scatter [tilespmem:s14], [sflag:$0x2], $0x1000, $0x38;
	[tilespmem:$0x4100] =	vst v63  }
0x161: {  	_ =	swait.ge [sflag:s17], $0x1000  }
0x162: {  	[sflag:s17] =	ssyncset.done $0x0  }
0x163: {  	[sflag:s17] =	ssyncadd.s32 $0xFFFFF000  }
0x164: {  	_ =	sfence.sel $0x180000  }
0x165: {  	[bflag:$0x0] =	sbarrier.arrive $0xFFFF  }
0x166: {  	p0 =	sne.s32 s3, $0x0;
	_ =	strace $0x90000047  }
0x167: {  	s0 =	sadd.s32 @!p0 $0x100000, s1;
	[bflag:$0x2] =	sbarrier.arrive $0xFFFF  }
0x168: {  	[sflag:s0] =	ssyncadd.tile.s32 @!p0 $0x1;
	_ =	shalt  }
.Lfunc_end2:
_tile_overlayer_lowered:
.L_overlay_start_2:
0x169: {  	(tag) =	ssettag $0x2  }
0x16a: {  	s0 =	rddreg [dreg:$0x0];
	s2 =	stileid.u32  }
0x16b: {  	s1 =	rddreg [dreg:$0x1];
	p0 =	sne.s32 s2, $0x0  }
0x16c: {  	s3 =	rddreg [dreg:$0x2];
	[bflag:$0x3] =	sbarrier.arrive $0xFFFF;
	s2 =	simm.s32 @!p0 $0x1C02  }
0x16d: {  	[timem:s3], [sflag:s2] =	dma.local @!p0 [hbm:s0], s1  }
0x16e: {  	s0 =	simm.s32 @!p0 $0x2  }
0x16f: {  	_ =	swait.ge @!p0 [sflag:s0], s1  }
0x170: {  	s1 =	ssub.s32 @!p0 $0x0, s1;
	[sflag:s0] =	ssyncset.done @!p0 $0x0  }
0x171: {  	[sflag:s0] =	ssyncadd.s32 @!p0 s1  }
0x172: {  	[bflag:$0x3] =	sbarrier.arrive $0xFFFF  }
0x173: {  	_ =	shalt  }

</sc_bundles>
